<compile_context>
chip_gen: v7x
topology: tpu7x:2x2x1
jax: 0.10.2.dev20260603
libtpu: 0.0.44.dev20260713+nightly
codegen_flags: <defaults>
</compile_context>

<pallas_src>
import functools

import numpy as np
import jax
import jax.numpy as jnp
from jax import lax
from jax.experimental import pallas as pl
from jax.experimental.pallas import tpu as pltpu
from jax.experimental.pallas import tpu_sc as plsc

D_MODEL = 64
MAX_LEN = 200
POS_REP = 4

NC = 2
NS = 16
NW = NC * NS


def _pos_encoding_np(position, d_model):
    angle_rads = np.arange(position)[:, np.newaxis] / np.power(
        10000, 2 * (np.arange(d_model)[np.newaxis, :] // 2) / np.float32(d_model))
    angle_rads[:, 0::2] = np.sin(angle_rads[:, 0::2])
    angle_rads[:, 1::2] = np.cos(angle_rads[:, 1::2])
    return angle_rads.astype(np.float32)


def _make_sc_kernel(n_rows, chunk_rows, n_chunks):
    rows_per_w = chunk_rows * n_chunks
    pos_rows = MAX_LEN * POS_REP
    mesh = plsc.VectorSubcoreMesh(
        core_axis_name="c", subcore_axis_name="s",
        num_cores=NC, num_subcores=NS)

    @functools.partial(
        pl.kernel,
        mesh=mesh,
        out_type=jax.ShapeDtypeStruct((n_rows, 2 * D_MODEL), jnp.float32),
        scratch_types=[
            pltpu.VMEM((n_chunks, chunk_rows), jnp.int32),
            pltpu.VMEM((chunk_rows, D_MODEL), jnp.float32),
            pltpu.VMEM((chunk_rows, D_MODEL), jnp.float32),
            pltpu.VMEM((chunk_rows, D_MODEL), jnp.float32),
            pltpu.VMEM((chunk_rows, D_MODEL), jnp.float32),
            pltpu.VMEM_SHARED((pos_rows, D_MODEL), jnp.float32),
            pltpu.SemaphoreType.DMA,
            pltpu.SemaphoreType.DMA,
            pltpu.SemaphoreType.DMA,
            pltpu.SemaphoreType.DMA,
            pltpu.SemaphoreType.DMA,
            pltpu.SemaphoreType.DMA,
            pltpu.SemaphoreType.DMA,
            pltpu.SemaphoreType.DMA,
            pltpu.SemaphoreType.DMA,
        ],
        compiler_params=pltpu.CompilerParams(use_tc_tiling_on_sc=False),
    )
    def sc_kernel(idx_hbm, table_hbm, pos_hbm, out_hbm,
                  idx_v, buf0, buf1, buf2, buf3, spos,
                  g0sem, g1sem, g2sem, g3sem,
                  p0sem, p1sem, p2sem, p3sem, wsem):
        sid = lax.axis_index("s")
        wid = sid * NC + lax.axis_index("c")
        wbase = wid * rows_per_w
        bufs = [buf0, buf1, buf2, buf3]
        gsems = [g0sem, g1sem, g2sem, g3sem]
        psems = [p0sem, p1sem, p2sem, p3sem]

        @pl.when(sid == 0)
        def _():
            pltpu.sync_copy(pos_hbm, spos)

        plsc.subcore_barrier()

        pltpu.sync_copy(idx_hbm.at[wid], idx_v)

        def prefill(r):
            return pltpu.async_copy(
                spos.at[pl.ds(0, chunk_rows)], bufs[r], psems[r])

        def writeback(c, r):
            return pltpu.async_copy(
                bufs[r],
                out_hbm.at[pl.ds(wbase + c * chunk_rows, chunk_rows),
                           pl.ds(0, D_MODEL)],
                wsem)

        gd = [None] * 4
        wd = [None] * 4
        pf = [None] * 4
        pf[0] = prefill(0)
        if n_chunks > 1:
            pf[1] = prefill(1)

        for c in range(n_chunks + 1):
            if c < n_chunks:
                r = c % 4
                pf[r].wait()
                gd[r] = pltpu.async_copy(
                    table_hbm.at[idx_v.at[c]], bufs[r], gsems[r], add=True)
            if c >= 1:
                rp = (c - 1) % 4
                gd[rp].wait()
                wd[rp] = writeback(c - 1, rp)
            if c + 2 <= n_chunks - 1:
                rn = (c + 2) % 4
                if wd[rn] is not None:
                    wd[rn].wait()
                pf[rn] = prefill(rn)

        for d in wd:
            if d is not None:
                d.wait()

    return sc_kernel


@jax.jit
def kernel(x, table):
    batch, seq_len = x.shape
    n_rows = batch * seq_len
    rows_per_w = n_rows // NW
    chunk_rows = 400
    n_chunks = rows_per_w // chunk_rows

    pos = jnp.asarray(
        np.tile(_pos_encoding_np(MAX_LEN, D_MODEL), (POS_REP, 1)))
    idx = x.reshape(NW, n_chunks, chunk_rows).astype(jnp.int32)

    sc_kernel = _make_sc_kernel(n_rows, chunk_rows, n_chunks)
    out = sc_kernel(idx, table, pos)
    return out[:, :D_MODEL].reshape(batch, seq_len, D_MODEL)

# --- scband reference (transcript-rebuilt; emitter-appended) ---
"""Pipeline reference for scband-positional-embedding-23081154249307 (READ-ONLY COPY).

The authoritative reference and input builder live on the scoring server;
editing this copy changes nothing except your own understanding.
"""

import jax, jax.numpy as jnp
import numpy as np

VOCAB_SIZE = 1000000
D_MODEL = 64
MAX_LEN = 200
BATCH = 1024
SEQ_LEN = 200


def positional_encoding(position, d_model):
    angle_rads = np.arange(position)[:, np.newaxis] / np.power(
        10000, 2 * (np.arange(d_model)[np.newaxis, :] // 2) / np.float32(d_model))
    angle_rads[:, 0::2] = np.sin(angle_rads[:, 0::2])
    angle_rads[:, 1::2] = np.cos(angle_rads[:, 1::2])
    return jnp.asarray(angle_rads[np.newaxis, ...], dtype=jnp.float32)


def setup_inputs(seed: int = 0) -> dict:
    key = jax.random.key(seed)
    k_idx, k_tbl = jax.random.split(key)
    x = jax.random.randint(k_idx, (BATCH, SEQ_LEN), 0, VOCAB_SIZE, dtype=jnp.int64 if jax.config.jax_enable_x64 else jnp.int32)
    # Embedding table (learned parameter), keras Embedding default uniform init
    table = jax.random.uniform(k_tbl, (VOCAB_SIZE, D_MODEL), dtype=jnp.float32, minval=-0.05, maxval=0.05)
    return {"x": x, "table": table}


def reference(x, table):
    pos_encoding = positional_encoding(MAX_LEN, D_MODEL)  # [1, MAX_LEN, D_MODEL]
    maxlen = x.shape[1]
    emb = jnp.take(table, x, axis=0)  # [B, L, D] embedding lookup (gather)
    out = emb + pos_encoding[:, :maxlen, :]
    return out

if __name__ == "__main__":
    import jax
    _d = setup_inputs()
    print(jax.jit(kernel)(*tuple(_d.values())))

</pallas_src>

<mosaic_0001>
#map = affine_map<(d0, d1) -> (0, 0, 0)>
#map1 = affine_map<(d0, d1) -> (0, 0)>
module attributes {stable_mosaic.version = 14 : i64} {
  func.func @sc_kernel(%arg0: i32, %arg1: i32, %arg2: memref<32x16x400xi32, #tpu.memory_space<hbm>>, %arg3: memref<1000000x64xf32, #tpu.memory_space<hbm>>, %arg4: memref<800x64xf32, #tpu.memory_space<hbm>>, %arg5: memref<204800x128xf32, #tpu.memory_space<hbm>>, %arg6: memref<16x400xi32, #tpu.memory_space<vmem>>, %arg7: memref<400x64xf32, #tpu.memory_space<vmem>>, %arg8: memref<400x64xf32, #tpu.memory_space<vmem>>, %arg9: memref<400x64xf32, #tpu.memory_space<vmem>>, %arg10: memref<400x64xf32, #tpu.memory_space<vmem>>, %arg11: memref<800x64xf32, #tpu.memory_space<vmem_shared>>, %arg12: memref<!tpu.dma_semaphore, #tpu.memory_space<semaphore_mem>>, %arg13: memref<!tpu.dma_semaphore, #tpu.memory_space<semaphore_mem>>, %arg14: memref<!tpu.dma_semaphore, #tpu.memory_space<semaphore_mem>>, %arg15: memref<!tpu.dma_semaphore, #tpu.memory_space<semaphore_mem>>, %arg16: memref<!tpu.dma_semaphore, #tpu.memory_space<semaphore_mem>>, %arg17: memref<!tpu.dma_semaphore, #tpu.memory_space<semaphore_mem>>, %arg18: memref<!tpu.dma_semaphore, #tpu.memory_space<semaphore_mem>>, %arg19: memref<!tpu.dma_semaphore, #tpu.memory_space<semaphore_mem>>, %arg20: memref<!tpu.dma_semaphore, #tpu.memory_space<semaphore_mem>>) attributes {dimension_semantics = [#tpu.dimension_semantics<core_parallel>, #tpu.dimension_semantics<subcore_parallel>], iteration_bounds = array<i64: 2, 16>, scalar_prefetch = 0 : i64, scratch_operands = 15 : i64, tpu.core_type = #tpu.core_type<sc_vector_subcore>, window_params = [{transform_indices = #map}, {transform_indices = #map1}, {transform_indices = #map1}, {transform_indices = #map1}]} {
    %mul3A = arith.constant 2 : i32
    %mul3A_0 = arith.muli %arg1, %mul3A : i32
    %add3A = arith.addi %mul3A_0, %arg0 : i32
    %mul3A_1 = arith.constant 6400 : i32
    %mul3A_2 = arith.muli %add3A, %mul3A_1 : i32
    %eq3A = arith.constant 0 : i32
    %eq3A_3 = arith.cmpi eq, %arg1, %eq3A : i32
    %convert_element_type3A = arith.extui %eq3A_3 : i1 to i32
    %cond3A = arith.constant 0 : i32
    %cond3A_4 = arith.cmpi ne, %convert_element_type3A, %cond3A : i32
    scf.if %cond3A_4 {
      "tpu.region"() ({
        %run_scoped3A = tpu.sem_alloc : memref<!tpu.dma_semaphore, #tpu.memory_space<semaphore_mem>>
        tpu.enqueue_dma source(%arg4 : memref<800x64xf32, #tpu.memory_space<hbm>>) target(%arg11 : memref<800x64xf32, #tpu.memory_space<vmem_shared>>) target_semaphore(%run_scoped3A : memref<!tpu.dma_semaphore, #tpu.memory_space<semaphore_mem>>)
        tpu.wait_dma2 semaphore(%run_scoped3A : memref<!tpu.dma_semaphore, #tpu.memory_space<semaphore_mem>>) src(%arg4 : memref<800x64xf32, #tpu.memory_space<hbm>>) dst(%arg11 : memref<800x64xf32, #tpu.memory_space<vmem_shared>>)
        tpu.yield
      }) : () -> ()
    } else {
    }
    %barrier3A = arith.constant 0 : index
    tpu.barrier barrier_id(%barrier3A)
    "tpu.region"() ({
      %run_scoped3A = tpu.sem_alloc : memref<!tpu.dma_semaphore, #tpu.memory_space<semaphore_mem>>
      %dma_start3A_579 = arith.constant 0 : i32
      %dma_start3A_580 = arith.constant 0 : i32
      %dma_start3A_581 = tpu.memref_slice %arg2[%add3A, %dma_start3A_579, %dma_start3A_580] : memref<32x16x400xi32, #tpu.memory_space<hbm>> -> memref<1x16x400xi32, #tpu.memory_space<hbm>>
      %dma_start3A_582 = tpu.memref_squeeze %dma_start3A_581 : memref<1x16x400xi32, #tpu.memory_space<hbm>> -> memref<16x400xi32, #tpu.memory_space<hbm>>
      %dma_start3A_583 = arith.constant 0 : i32
      %dma_start3A_584 = arith.constant 0 : i32
      %dma_start3A_585 = tpu.memref_slice %arg2[%add3A, %dma_start3A_583, %dma_start3A_584] : memref<32x16x400xi32, #tpu.memory_space<hbm>> -> memref<1x16x400xi32, #tpu.memory_space<hbm>>
      %dma_start3A_586 = tpu.memref_squeeze %dma_start3A_585 : memref<1x16x400xi32, #tpu.memory_space<hbm>> -> memref<16x400xi32, #tpu.memory_space<hbm>>
      tpu.enqueue_dma source(%dma_start3A_586 : memref<16x400xi32, #tpu.memory_space<hbm>>) target(%arg6 : memref<16x400xi32, #tpu.memory_space<vmem>>) target_semaphore(%run_scoped3A : memref<!tpu.dma_semaphore, #tpu.memory_space<semaphore_mem>>)
      %dma_wait3A_587 = arith.constant 0 : i32
      %dma_wait3A_588 = arith.constant 0 : i32
      %dma_wait3A_589 = tpu.memref_slice %arg2[%add3A, %dma_wait3A_587, %dma_wait3A_588] : memref<32x16x400xi32, #tpu.memory_space<hbm>> -> memref<1x16x400xi32, #tpu.memory_space<hbm>>
      %dma_wait3A_590 = tpu.memref_squeeze %dma_wait3A_589 : memref<1x16x400xi32, #tpu.memory_space<hbm>> -> memref<16x400xi32, #tpu.memory_space<hbm>>
      %dma_wait3A_591 = arith.constant 0 : i32
      %dma_wait3A_592 = arith.constant 0 : i32
      %dma_wait3A_593 = tpu.memref_slice %arg2[%add3A, %dma_wait3A_591, %dma_wait3A_592] : memref<32x16x400xi32, #tpu.memory_space<hbm>> -> memref<1x16x400xi32, #tpu.memory_space<hbm>>
      %dma_wait3A_594 = tpu.memref_squeeze %dma_wait3A_593 : memref<1x16x400xi32, #tpu.memory_space<hbm>> -> memref<16x400xi32, #tpu.memory_space<hbm>>
      tpu.wait_dma2 semaphore(%run_scoped3A : memref<!tpu.dma_semaphore, #tpu.memory_space<semaphore_mem>>) src(%dma_wait3A_594 : memref<16x400xi32, #tpu.memory_space<hbm>>) dst(%arg6 : memref<16x400xi32, #tpu.memory_space<vmem>>)
      tpu.yield
    }) : () -> ()
    %dma_start3A = arith.constant 0 : i32
    %dma_start3A_5 = arith.constant 0 : i32
    %dma_start3A_6 = tpu.memref_slice %arg11[%dma_start3A, %dma_start3A_5] : memref<800x64xf32, #tpu.memory_space<vmem_shared>> -> memref<400x64xf32, #tpu.memory_space<vmem_shared>>
    %dma_start3A_7 = arith.constant 0 : i32
    %dma_start3A_8 = arith.constant 0 : i32
    %dma_start3A_9 = tpu.memref_slice %arg11[%dma_start3A_7, %dma_start3A_8] : memref<800x64xf32, #tpu.memory_space<vmem_shared>> -> memref<400x64xf32, #tpu.memory_space<vmem_shared>>
    tpu.enqueue_dma source(%dma_start3A_9 : memref<400x64xf32, #tpu.memory_space<vmem_shared>>) target(%arg7 : memref<400x64xf32, #tpu.memory_space<vmem>>) target_semaphore(%arg16 : memref<!tpu.dma_semaphore, #tpu.memory_space<semaphore_mem>>)
    %dma_start3A_10 = arith.constant 0 : i32
    %dma_start3A_11 = arith.constant 0 : i32
    %dma_start3A_12 = tpu.memref_slice %arg11[%dma_start3A_10, %dma_start3A_11] : memref<800x64xf32, #tpu.memory_space<vmem_shared>> -> memref<400x64xf32, #tpu.memory_space<vmem_shared>>
    %dma_start3A_13 = arith.constant 0 : i32
    %dma_start3A_14 = arith.constant 0 : i32
    %dma_start3A_15 = tpu.memref_slice %arg11[%dma_start3A_13, %dma_start3A_14] : memref<800x64xf32, #tpu.memory_space<vmem_shared>> -> memref<400x64xf32, #tpu.memory_space<vmem_shared>>
    tpu.enqueue_dma source(%dma_start3A_15 : memref<400x64xf32, #tpu.memory_space<vmem_shared>>) target(%arg8 : memref<400x64xf32, #tpu.memory_space<vmem>>) target_semaphore(%arg17 : memref<!tpu.dma_semaphore, #tpu.memory_space<semaphore_mem>>)
    %dma_wait3A = arith.constant 0 : i32
    %dma_wait3A_16 = arith.constant 0 : i32
    %dma_wait3A_17 = tpu.memref_slice %arg11[%dma_wait3A, %dma_wait3A_16] : memref<800x64xf32, #tpu.memory_space<vmem_shared>> -> memref<400x64xf32, #tpu.memory_space<vmem_shared>>
    %dma_wait3A_18 = arith.constant 0 : i32
    %dma_wait3A_19 = arith.constant 0 : i32
    %dma_wait3A_20 = tpu.memref_slice %arg11[%dma_wait3A_18, %dma_wait3A_19] : memref<800x64xf32, #tpu.memory_space<vmem_shared>> -> memref<400x64xf32, #tpu.memory_space<vmem_shared>>
    tpu.wait_dma2 semaphore(%arg16 : memref<!tpu.dma_semaphore, #tpu.memory_space<semaphore_mem>>) src(%dma_wait3A_20 : memref<400x64xf32, #tpu.memory_space<vmem_shared>>) dst(%arg7 : memref<400x64xf32, #tpu.memory_space<vmem>>)
    %dma_start3A_21 = arith.constant 0 : i32
    %dma_start3A_22 = arith.constant 0 : i32
    %dma_start3A_23 = tpu.memref_slice %arg6[%dma_start3A_21, %dma_start3A_22] : memref<16x400xi32, #tpu.memory_space<vmem>> -> memref<1x400xi32, #tpu.memory_space<vmem>>
    %dma_start3A_24 = tpu.memref_squeeze %dma_start3A_23 : memref<1x400xi32, #tpu.memory_space<vmem>> -> memref<400xi32, #tpu.memory_space<vmem>>
    %dma_start3A_25 = arith.constant 0 : i32
    %dma_start3A_26 = arith.constant 0 : i32
    %dma_start3A_27 = tpu.memref_slice %arg3[%dma_start3A_25, %dma_start3A_26] : memref<1000000x64xf32, #tpu.memory_space<hbm>> -> memref<1000000x64xf32, #tpu.memory_space<hbm>>
    tpu.enqueue_indirect_dma source(%dma_start3A_27 : memref<1000000x64xf32, #tpu.memory_space<hbm>>) target(%arg7 : memref<400x64xf32, #tpu.memory_space<vmem>>) offsets(%dma_start3A_24 : memref<400xi32, #tpu.memory_space<vmem>>) semaphore(%arg12 : memref<!tpu.dma_semaphore, #tpu.memory_space<semaphore_mem>>) {add = true}
    %dma_start3A_28 = arith.constant 0 : i32
    %dma_start3A_29 = arith.constant 0 : i32
    %dma_start3A_30 = tpu.memref_slice %arg11[%dma_start3A_28, %dma_start3A_29] : memref<800x64xf32, #tpu.memory_space<vmem_shared>> -> memref<400x64xf32, #tpu.memory_space<vmem_shared>>
    %dma_start3A_31 = arith.constant 0 : i32
    %dma_start3A_32 = arith.constant 0 : i32
    %dma_start3A_33 = tpu.memref_slice %arg11[%dma_start3A_31, %dma_start3A_32] : memref<800x64xf32, #tpu.memory_space<vmem_shared>> -> memref<400x64xf32, #tpu.memory_space<vmem_shared>>
    tpu.enqueue_dma source(%dma_start3A_33 : memref<400x64xf32, #tpu.memory_space<vmem_shared>>) target(%arg9 : memref<400x64xf32, #tpu.memory_space<vmem>>) target_semaphore(%arg18 : memref<!tpu.dma_semaphore, #tpu.memory_space<semaphore_mem>>)
    %dma_wait3A_34 = arith.constant 0 : i32
    %dma_wait3A_35 = arith.constant 0 : i32
    %dma_wait3A_36 = tpu.memref_slice %arg11[%dma_wait3A_34, %dma_wait3A_35] : memref<800x64xf32, #tpu.memory_space<vmem_shared>> -> memref<400x64xf32, #tpu.memory_space<vmem_shared>>
    %dma_wait3A_37 = arith.constant 0 : i32
    %dma_wait3A_38 = arith.constant 0 : i32
    %dma_wait3A_39 = tpu.memref_slice %arg11[%dma_wait3A_37, %dma_wait3A_38] : memref<800x64xf32, #tpu.memory_space<vmem_shared>> -> memref<400x64xf32, #tpu.memory_space<vmem_shared>>
    tpu.wait_dma2 semaphore(%arg17 : memref<!tpu.dma_semaphore, #tpu.memory_space<semaphore_mem>>) src(%dma_wait3A_39 : memref<400x64xf32, #tpu.memory_space<vmem_shared>>) dst(%arg8 : memref<400x64xf32, #tpu.memory_space<vmem>>)
    %dma_start3A_40 = arith.constant 1 : i32
    %dma_start3A_41 = arith.constant 0 : i32
    %dma_start3A_42 = tpu.memref_slice %arg6[%dma_start3A_40, %dma_start3A_41] : memref<16x400xi32, #tpu.memory_space<vmem>> -> memref<1x400xi32, #tpu.memory_space<vmem>>
    %dma_start3A_43 = tpu.memref_squeeze %dma_start3A_42 : memref<1x400xi32, #tpu.memory_space<vmem>> -> memref<400xi32, #tpu.memory_space<vmem>>
    %dma_start3A_44 = arith.constant 0 : i32
    %dma_start3A_45 = arith.constant 0 : i32
    %dma_start3A_46 = tpu.memref_slice %arg3[%dma_start3A_44, %dma_start3A_45] : memref<1000000x64xf32, #tpu.memory_space<hbm>> -> memref<1000000x64xf32, #tpu.memory_space<hbm>>
    tpu.enqueue_indirect_dma source(%dma_start3A_46 : memref<1000000x64xf32, #tpu.memory_space<hbm>>) target(%arg8 : memref<400x64xf32, #tpu.memory_space<vmem>>) offsets(%dma_start3A_43 : memref<400xi32, #tpu.memory_space<vmem>>) semaphore(%arg13 : memref<!tpu.dma_semaphore, #tpu.memory_space<semaphore_mem>>) {add = true}
    %dma_wait3A_47 = arith.constant 0 : i32
    %dma_wait3A_48 = arith.constant 0 : i32
    %dma_wait3A_49 = tpu.memref_slice %arg6[%dma_wait3A_47, %dma_wait3A_48] : memref<16x400xi32, #tpu.memory_space<vmem>> -> memref<1x400xi32, #tpu.memory_space<vmem>>
    %dma_wait3A_50 = tpu.memref_squeeze %dma_wait3A_49 : memref<1x400xi32, #tpu.memory_space<vmem>> -> memref<400xi32, #tpu.memory_space<vmem>>
    %dma_wait3A_51 = arith.constant 0 : i32
    %dma_wait3A_52 = arith.constant 0 : i32
    %dma_wait3A_53 = tpu.memref_slice %arg3[%dma_wait3A_51, %dma_wait3A_52] : memref<1000000x64xf32, #tpu.memory_space<hbm>> -> memref<1000000x64xf32, #tpu.memory_space<hbm>>
    tpu.wait_indirect_dma semaphore(%arg12 : memref<!tpu.dma_semaphore, #tpu.memory_space<semaphore_mem>>) src(%dma_wait3A_53 : memref<1000000x64xf32, #tpu.memory_space<hbm>>) dst(%arg7 : memref<400x64xf32, #tpu.memory_space<vmem>>)
    %add3A_54 = arith.constant 0 : i32
    %add3A_55 = arith.addi %mul3A_2, %add3A_54 : i32
    %dma_start3A_56 = arith.constant 0 : i32
    %dma_start3A_57 = tpu.memref_slice %arg5[%add3A_55, %dma_start3A_56] : memref<204800x128xf32, #tpu.memory_space<hbm>> -> memref<400x64xf32, #tpu.memory_space<hbm>>
    %dma_start3A_58 = arith.constant 0 : i32
    %dma_start3A_59 = tpu.memref_slice %arg5[%add3A_55, %dma_start3A_58] : memref<204800x128xf32, #tpu.memory_space<hbm>> -> memref<400x64xf32, #tpu.memory_space<hbm>>
    tpu.enqueue_dma source(%arg7 : memref<400x64xf32, #tpu.memory_space<vmem>>) target(%dma_start3A_59 : memref<400x64xf32, #tpu.memory_space<hbm>>) target_semaphore(%arg20 : memref<!tpu.dma_semaphore, #tpu.memory_space<semaphore_mem>>)
    %dma_start3A_60 = arith.constant 0 : i32
    %dma_start3A_61 = arith.constant 0 : i32
    %dma_start3A_62 = tpu.memref_slice %arg11[%dma_start3A_60, %dma_start3A_61] : memref<800x64xf32, #tpu.memory_space<vmem_shared>> -> memref<400x64xf32, #tpu.memory_space<vmem_shared>>
    %dma_start3A_63 = arith.constant 0 : i32
    %dma_start3A_64 = arith.constant 0 : i32
    %dma_start3A_65 = tpu.memref_slice %arg11[%dma_start3A_63, %dma_start3A_64] : memref<800x64xf32, #tpu.memory_space<vmem_shared>> -> memref<400x64xf32, #tpu.memory_space<vmem_shared>>
    tpu.enqueue_dma source(%dma_start3A_65 : memref<400x64xf32, #tpu.memory_space<vmem_shared>>) target(%arg10 : memref<400x64xf32, #tpu.memory_space<vmem>>) target_semaphore(%arg19 : memref<!tpu.dma_semaphore, #tpu.memory_space<semaphore_mem>>)
    %dma_wait3A_66 = arith.constant 0 : i32
    %dma_wait3A_67 = arith.constant 0 : i32
    %dma_wait3A_68 = tpu.memref_slice %arg11[%dma_wait3A_66, %dma_wait3A_67] : memref<800x64xf32, #tpu.memory_space<vmem_shared>> -> memref<400x64xf32, #tpu.memory_space<vmem_shared>>
    %dma_wait3A_69 = arith.constant 0 : i32
    %dma_wait3A_70 = arith.constant 0 : i32
    %dma_wait3A_71 = tpu.memref_slice %arg11[%dma_wait3A_69, %dma_wait3A_70] : memref<800x64xf32, #tpu.memory_space<vmem_shared>> -> memref<400x64xf32, #tpu.memory_space<vmem_shared>>
    tpu.wait_dma2 semaphore(%arg18 : memref<!tpu.dma_semaphore, #tpu.memory_space<semaphore_mem>>) src(%dma_wait3A_71 : memref<400x64xf32, #tpu.memory_space<vmem_shared>>) dst(%arg9 : memref<400x64xf32, #tpu.memory_space<vmem>>)
    %dma_start3A_72 = arith.constant 2 : i32
    %dma_start3A_73 = arith.constant 0 : i32
    %dma_start3A_74 = tpu.memref_slice %arg6[%dma_start3A_72, %dma_start3A_73] : memref<16x400xi32, #tpu.memory_space<vmem>> -> memref<1x400xi32, #tpu.memory_space<vmem>>
    %dma_start3A_75 = tpu.memref_squeeze %dma_start3A_74 : memref<1x400xi32, #tpu.memory_space<vmem>> -> memref<400xi32, #tpu.memory_space<vmem>>
    %dma_start3A_76 = arith.constant 0 : i32
    %dma_start3A_77 = arith.constant 0 : i32
    %dma_start3A_78 = tpu.memref_slice %arg3[%dma_start3A_76, %dma_start3A_77] : memref<1000000x64xf32, #tpu.memory_space<hbm>> -> memref<1000000x64xf32, #tpu.memory_space<hbm>>
    tpu.enqueue_indirect_dma source(%dma_start3A_78 : memref<1000000x64xf32, #tpu.memory_space<hbm>>) target(%arg9 : memref<400x64xf32, #tpu.memory_space<vmem>>) offsets(%dma_start3A_75 : memref<400xi32, #tpu.memory_space<vmem>>) semaphore(%arg14 : memref<!tpu.dma_semaphore, #tpu.memory_space<semaphore_mem>>) {add = true}
    %dma_wait3A_79 = arith.constant 1 : i32
    %dma_wait3A_80 = arith.constant 0 : i32
    %dma_wait3A_81 = tpu.memref_slice %arg6[%dma_wait3A_79, %dma_wait3A_80] : memref<16x400xi32, #tpu.memory_space<vmem>> -> memref<1x400xi32, #tpu.memory_space<vmem>>
    %dma_wait3A_82 = tpu.memref_squeeze %dma_wait3A_81 : memref<1x400xi32, #tpu.memory_space<vmem>> -> memref<400xi32, #tpu.memory_space<vmem>>
    %dma_wait3A_83 = arith.constant 0 : i32
    %dma_wait3A_84 = arith.constant 0 : i32
    %dma_wait3A_85 = tpu.memref_slice %arg3[%dma_wait3A_83, %dma_wait3A_84] : memref<1000000x64xf32, #tpu.memory_space<hbm>> -> memref<1000000x64xf32, #tpu.memory_space<hbm>>
    tpu.wait_indirect_dma semaphore(%arg13 : memref<!tpu.dma_semaphore, #tpu.memory_space<semaphore_mem>>) src(%dma_wait3A_85 : memref<1000000x64xf32, #tpu.memory_space<hbm>>) dst(%arg8 : memref<400x64xf32, #tpu.memory_space<vmem>>)
    %add3A_86 = arith.constant 400 : i32
    %add3A_87 = arith.addi %mul3A_2, %add3A_86 : i32
    %dma_start3A_88 = arith.constant 0 : i32
    %dma_start3A_89 = tpu.memref_slice %arg5[%add3A_87, %dma_start3A_88] : memref<204800x128xf32, #tpu.memory_space<hbm>> -> memref<400x64xf32, #tpu.memory_space<hbm>>
    %dma_start3A_90 = arith.constant 0 : i32
    %dma_start3A_91 = tpu.memref_slice %arg5[%add3A_87, %dma_start3A_90] : memref<204800x128xf32, #tpu.memory_space<hbm>> -> memref<400x64xf32, #tpu.memory_space<hbm>>
    tpu.enqueue_dma source(%arg8 : memref<400x64xf32, #tpu.memory_space<vmem>>) target(%dma_start3A_91 : memref<400x64xf32, #tpu.memory_space<hbm>>) target_semaphore(%arg20 : memref<!tpu.dma_semaphore, #tpu.memory_space<semaphore_mem>>)
    %dma_wait3A_92 = arith.constant 0 : i32
    %dma_wait3A_93 = tpu.memref_slice %arg5[%add3A_55, %dma_wait3A_92] : memref<204800x128xf32, #tpu.memory_space<hbm>> -> memref<400x64xf32, #tpu.memory_space<hbm>>
    %dma_wait3A_94 = arith.constant 0 : i32
    %dma_wait3A_95 = tpu.memref_slice %arg5[%add3A_55, %dma_wait3A_94] : memref<204800x128xf32, #tpu.memory_space<hbm>> -> memref<400x64xf32, #tpu.memory_space<hbm>>
    tpu.wait_dma2 semaphore(%arg20 : memref<!tpu.dma_semaphore, #tpu.memory_space<semaphore_mem>>) src(%arg7 : memref<400x64xf32, #tpu.memory_space<vmem>>) dst(%dma_wait3A_95 : memref<400x64xf32, #tpu.memory_space<hbm>>)
    %dma_start3A_96 = arith.constant 0 : i32
    %dma_start3A_97 = arith.constant 0 : i32
    %dma_start3A_98 = tpu.memref_slice %arg11[%dma_start3A_96, %dma_start3A_97] : memref<800x64xf32, #tpu.memory_space<vmem_shared>> -> memref<400x64xf32, #tpu.memory_space<vmem_shared>>
    %dma_start3A_99 = arith.constant 0 : i32
    %dma_start3A_100 = arith.constant 0 : i32
    %dma_start3A_101 = tpu.memref_slice %arg11[%dma_start3A_99, %dma_start3A_100] : memref<800x64xf32, #tpu.memory_space<vmem_shared>> -> memref<400x64xf32, #tpu.memory_space<vmem_shared>>
    tpu.enqueue_dma source(%dma_start3A_101 : memref<400x64xf32, #tpu.memory_space<vmem_shared>>) target(%arg7 : memref<400x64xf32, #tpu.memory_space<vmem>>) target_semaphore(%arg16 : memref<!tpu.dma_semaphore, #tpu.memory_space<semaphore_mem>>)
    %dma_wait3A_102 = arith.constant 0 : i32
    %dma_wait3A_103 = arith.constant 0 : i32
    %dma_wait3A_104 = tpu.memref_slice %arg11[%dma_wait3A_102, %dma_wait3A_103] : memref<800x64xf32, #tpu.memory_space<vmem_shared>> -> memref<400x64xf32, #tpu.memory_space<vmem_shared>>
    %dma_wait3A_105 = arith.constant 0 : i32
    %dma_wait3A_106 = arith.constant 0 : i32
    %dma_wait3A_107 = tpu.memref_slice %arg11[%dma_wait3A_105, %dma_wait3A_106] : memref<800x64xf32, #tpu.memory_space<vmem_shared>> -> memref<400x64xf32, #tpu.memory_space<vmem_shared>>
    tpu.wait_dma2 semaphore(%arg19 : memref<!tpu.dma_semaphore, #tpu.memory_space<semaphore_mem>>) src(%dma_wait3A_107 : memref<400x64xf32, #tpu.memory_space<vmem_shared>>) dst(%arg10 : memref<400x64xf32, #tpu.memory_space<vmem>>)
    %dma_start3A_108 = arith.constant 3 : i32
    %dma_start3A_109 = arith.constant 0 : i32
    %dma_start3A_110 = tpu.memref_slice %arg6[%dma_start3A_108, %dma_start3A_109] : memref<16x400xi32, #tpu.memory_space<vmem>> -> memref<1x400xi32, #tpu.memory_space<vmem>>
    %dma_start3A_111 = tpu.memref_squeeze %dma_start3A_110 : memref<1x400xi32, #tpu.memory_space<vmem>> -> memref<400xi32, #tpu.memory_space<vmem>>
    %dma_start3A_112 = arith.constant 0 : i32
    %dma_start3A_113 = arith.constant 0 : i32
    %dma_start3A_114 = tpu.memref_slice %arg3[%dma_start3A_112, %dma_start3A_113] : memref<1000000x64xf32, #tpu.memory_space<hbm>> -> memref<1000000x64xf32, #tpu.memory_space<hbm>>
    tpu.enqueue_indirect_dma source(%dma_start3A_114 : memref<1000000x64xf32, #tpu.memory_space<hbm>>) target(%arg10 : memref<400x64xf32, #tpu.memory_space<vmem>>) offsets(%dma_start3A_111 : memref<400xi32, #tpu.memory_space<vmem>>) semaphore(%arg15 : memref<!tpu.dma_semaphore, #tpu.memory_space<semaphore_mem>>) {add = true}
    %dma_wait3A_115 = arith.constant 2 : i32
    %dma_wait3A_116 = arith.constant 0 : i32
    %dma_wait3A_117 = tpu.memref_slice %arg6[%dma_wait3A_115, %dma_wait3A_116] : memref<16x400xi32, #tpu.memory_space<vmem>> -> memref<1x400xi32, #tpu.memory_space<vmem>>
    %dma_wait3A_118 = tpu.memref_squeeze %dma_wait3A_117 : memref<1x400xi32, #tpu.memory_space<vmem>> -> memref<400xi32, #tpu.memory_space<vmem>>
    %dma_wait3A_119 = arith.constant 0 : i32
    %dma_wait3A_120 = arith.constant 0 : i32
    %dma_wait3A_121 = tpu.memref_slice %arg3[%dma_wait3A_119, %dma_wait3A_120] : memref<1000000x64xf32, #tpu.memory_space<hbm>> -> memref<1000000x64xf32, #tpu.memory_space<hbm>>
    tpu.wait_indirect_dma semaphore(%arg14 : memref<!tpu.dma_semaphore, #tpu.memory_space<semaphore_mem>>) src(%dma_wait3A_121 : memref<1000000x64xf32, #tpu.memory_space<hbm>>) dst(%arg9 : memref<400x64xf32, #tpu.memory_space<vmem>>)
    %add3A_122 = arith.constant 800 : i32
    %add3A_123 = arith.addi %mul3A_2, %add3A_122 : i32
    %dma_start3A_124 = arith.constant 0 : i32
    %dma_start3A_125 = tpu.memref_slice %arg5[%add3A_123, %dma_start3A_124] : memref<204800x128xf32, #tpu.memory_space<hbm>> -> memref<400x64xf32, #tpu.memory_space<hbm>>
    %dma_start3A_126 = arith.constant 0 : i32
    %dma_start3A_127 = tpu.memref_slice %arg5[%add3A_123, %dma_start3A_126] : memref<204800x128xf32, #tpu.memory_space<hbm>> -> memref<400x64xf32, #tpu.memory_space<hbm>>
    tpu.enqueue_dma source(%arg9 : memref<400x64xf32, #tpu.memory_space<vmem>>) target(%dma_start3A_127 : memref<400x64xf32, #tpu.memory_space<hbm>>) target_semaphore(%arg20 : memref<!tpu.dma_semaphore, #tpu.memory_space<semaphore_mem>>)
    %dma_wait3A_128 = arith.constant 0 : i32
    %dma_wait3A_129 = tpu.memref_slice %arg5[%add3A_87, %dma_wait3A_128] : memref<204800x128xf32, #tpu.memory_space<hbm>> -> memref<400x64xf32, #tpu.memory_space<hbm>>
    %dma_wait3A_130 = arith.constant 0 : i32
    %dma_wait3A_131 = tpu.memref_slice %arg5[%add3A_87, %dma_wait3A_130] : memref<204800x128xf32, #tpu.memory_space<hbm>> -> memref<400x64xf32, #tpu.memory_space<hbm>>
    tpu.wait_dma2 semaphore(%arg20 : memref<!tpu.dma_semaphore, #tpu.memory_space<semaphore_mem>>) src(%arg8 : memref<400x64xf32, #tpu.memory_space<vmem>>) dst(%dma_wait3A_131 : memref<400x64xf32, #tpu.memory_space<hbm>>)
    %dma_start3A_132 = arith.constant 0 : i32
    %dma_start3A_133 = arith.constant 0 : i32
    %dma_start3A_134 = tpu.memref_slice %arg11[%dma_start3A_132, %dma_start3A_133] : memref<800x64xf32, #tpu.memory_space<vmem_shared>> -> memref<400x64xf32, #tpu.memory_space<vmem_shared>>
    %dma_start3A_135 = arith.constant 0 : i32
    %dma_start3A_136 = arith.constant 0 : i32
    %dma_start3A_137 = tpu.memref_slice %arg11[%dma_start3A_135, %dma_start3A_136] : memref<800x64xf32, #tpu.memory_space<vmem_shared>> -> memref<400x64xf32, #tpu.memory_space<vmem_shared>>
    tpu.enqueue_dma source(%dma_start3A_137 : memref<400x64xf32, #tpu.memory_space<vmem_shared>>) target(%arg8 : memref<400x64xf32, #tpu.memory_space<vmem>>) target_semaphore(%arg17 : memref<!tpu.dma_semaphore, #tpu.memory_space<semaphore_mem>>)
    %dma_wait3A_138 = arith.constant 0 : i32
    %dma_wait3A_139 = arith.constant 0 : i32
    %dma_wait3A_140 = tpu.memref_slice %arg11[%dma_wait3A_138, %dma_wait3A_139] : memref<800x64xf32, #tpu.memory_space<vmem_shared>> -> memref<400x64xf32, #tpu.memory_space<vmem_shared>>
    %dma_wait3A_141 = arith.constant 0 : i32
    %dma_wait3A_142 = arith.constant 0 : i32
    %dma_wait3A_143 = tpu.memref_slice %arg11[%dma_wait3A_141, %dma_wait3A_142] : memref<800x64xf32, #tpu.memory_space<vmem_shared>> -> memref<400x64xf32, #tpu.memory_space<vmem_shared>>
    tpu.wait_dma2 semaphore(%arg16 : memref<!tpu.dma_semaphore, #tpu.memory_space<semaphore_mem>>) src(%dma_wait3A_143 : memref<400x64xf32, #tpu.memory_space<vmem_shared>>) dst(%arg7 : memref<400x64xf32, #tpu.memory_space<vmem>>)
    %dma_start3A_144 = arith.constant 4 : i32
    %dma_start3A_145 = arith.constant 0 : i32
    %dma_start3A_146 = tpu.memref_slice %arg6[%dma_start3A_144, %dma_start3A_145] : memref<16x400xi32, #tpu.memory_space<vmem>> -> memref<1x400xi32, #tpu.memory_space<vmem>>
    %dma_start3A_147 = tpu.memref_squeeze %dma_start3A_146 : memref<1x400xi32, #tpu.memory_space<vmem>> -> memref<400xi32, #tpu.memory_space<vmem>>
    %dma_start3A_148 = arith.constant 0 : i32
    %dma_start3A_149 = arith.constant 0 : i32
    %dma_start3A_150 = tpu.memref_slice %arg3[%dma_start3A_148, %dma_start3A_149] : memref<1000000x64xf32, #tpu.memory_space<hbm>> -> memref<1000000x64xf32, #tpu.memory_space<hbm>>
    tpu.enqueue_indirect_dma source(%dma_start3A_150 : memref<1000000x64xf32, #tpu.memory_space<hbm>>) target(%arg7 : memref<400x64xf32, #tpu.memory_space<vmem>>) offsets(%dma_start3A_147 : memref<400xi32, #tpu.memory_space<vmem>>) semaphore(%arg12 : memref<!tpu.dma_semaphore, #tpu.memory_space<semaphore_mem>>) {add = true}
    %dma_wait3A_151 = arith.constant 3 : i32
    %dma_wait3A_152 = arith.constant 0 : i32
    %dma_wait3A_153 = tpu.memref_slice %arg6[%dma_wait3A_151, %dma_wait3A_152] : memref<16x400xi32, #tpu.memory_space<vmem>> -> memref<1x400xi32, #tpu.memory_space<vmem>>
    %dma_wait3A_154 = tpu.memref_squeeze %dma_wait3A_153 : memref<1x400xi32, #tpu.memory_space<vmem>> -> memref<400xi32, #tpu.memory_space<vmem>>
    %dma_wait3A_155 = arith.constant 0 : i32
    %dma_wait3A_156 = arith.constant 0 : i32
    %dma_wait3A_157 = tpu.memref_slice %arg3[%dma_wait3A_155, %dma_wait3A_156] : memref<1000000x64xf32, #tpu.memory_space<hbm>> -> memref<1000000x64xf32, #tpu.memory_space<hbm>>
    tpu.wait_indirect_dma semaphore(%arg15 : memref<!tpu.dma_semaphore, #tpu.memory_space<semaphore_mem>>) src(%dma_wait3A_157 : memref<1000000x64xf32, #tpu.memory_space<hbm>>) dst(%arg10 : memref<400x64xf32, #tpu.memory_space<vmem>>)
    %add3A_158 = arith.constant 1200 : i32
    %add3A_159 = arith.addi %mul3A_2, %add3A_158 : i32
    %dma_start3A_160 = arith.constant 0 : i32
    %dma_start3A_161 = tpu.memref_slice %arg5[%add3A_159, %dma_start3A_160] : memref<204800x128xf32, #tpu.memory_space<hbm>> -> memref<400x64xf32, #tpu.memory_space<hbm>>
    %dma_start3A_162 = arith.constant 0 : i32
    %dma_start3A_163 = tpu.memref_slice %arg5[%add3A_159, %dma_start3A_162] : memref<204800x128xf32, #tpu.memory_space<hbm>> -> memref<400x64xf32, #tpu.memory_space<hbm>>
    tpu.enqueue_dma source(%arg10 : memref<400x64xf32, #tpu.memory_space<vmem>>) target(%dma_start3A_163 : memref<400x64xf32, #tpu.memory_space<hbm>>) target_semaphore(%arg20 : memref<!tpu.dma_semaphore, #tpu.memory_space<semaphore_mem>>)
    %dma_wait3A_164 = arith.constant 0 : i32
    %dma_wait3A_165 = tpu.memref_slice %arg5[%add3A_123, %dma_wait3A_164] : memref<204800x128xf32, #tpu.memory_space<hbm>> -> memref<400x64xf32, #tpu.memory_space<hbm>>
    %dma_wait3A_166 = arith.constant 0 : i32
    %dma_wait3A_167 = tpu.memref_slice %arg5[%add3A_123, %dma_wait3A_166] : memref<204800x128xf32, #tpu.memory_space<hbm>> -> memref<400x64xf32, #tpu.memory_space<hbm>>
    tpu.wait_dma2 semaphore(%arg20 : memref<!tpu.dma_semaphore, #tpu.memory_space<semaphore_mem>>) src(%arg9 : memref<400x64xf32, #tpu.memory_space<vmem>>) dst(%dma_wait3A_167 : memref<400x64xf32, #tpu.memory_space<hbm>>)
    %dma_start3A_168 = arith.constant 0 : i32
    %dma_start3A_169 = arith.constant 0 : i32
    %dma_start3A_170 = tpu.memref_slice %arg11[%dma_start3A_168, %dma_start3A_169] : memref<800x64xf32, #tpu.memory_space<vmem_shared>> -> memref<400x64xf32, #tpu.memory_space<vmem_shared>>
    %dma_start3A_171 = arith.constant 0 : i32
    %dma_start3A_172 = arith.constant 0 : i32
    %dma_start3A_173 = tpu.memref_slice %arg11[%dma_start3A_171, %dma_start3A_172] : memref<800x64xf32, #tpu.memory_space<vmem_shared>> -> memref<400x64xf32, #tpu.memory_space<vmem_shared>>
    tpu.enqueue_dma source(%dma_start3A_173 : memref<400x64xf32, #tpu.memory_space<vmem_shared>>) target(%arg9 : memref<400x64xf32, #tpu.memory_space<vmem>>) target_semaphore(%arg18 : memref<!tpu.dma_semaphore, #tpu.memory_space<semaphore_mem>>)
    %dma_wait3A_174 = arith.constant 0 : i32
    %dma_wait3A_175 = arith.constant 0 : i32
    %dma_wait3A_176 = tpu.memref_slice %arg11[%dma_wait3A_174, %dma_wait3A_175] : memref<800x64xf32, #tpu.memory_space<vmem_shared>> -> memref<400x64xf32, #tpu.memory_space<vmem_shared>>
    %dma_wait3A_177 = arith.constant 0 : i32
    %dma_wait3A_178 = arith.constant 0 : i32
    %dma_wait3A_179 = tpu.memref_slice %arg11[%dma_wait3A_177, %dma_wait3A_178] : memref<800x64xf32, #tpu.memory_space<vmem_shared>> -> memref<400x64xf32, #tpu.memory_space<vmem_shared>>
    tpu.wait_dma2 semaphore(%arg17 : memref<!tpu.dma_semaphore, #tpu.memory_space<semaphore_mem>>) src(%dma_wait3A_179 : memref<400x64xf32, #tpu.memory_space<vmem_shared>>) dst(%arg8 : memref<400x64xf32, #tpu.memory_space<vmem>>)
    %dma_start3A_180 = arith.constant 5 : i32
    %dma_start3A_181 = arith.constant 0 : i32
    %dma_start3A_182 = tpu.memref_slice %arg6[%dma_start3A_180, %dma_start3A_181] : memref<16x400xi32, #tpu.memory_space<vmem>> -> memref<1x400xi32, #tpu.memory_space<vmem>>
    %dma_start3A_183 = tpu.memref_squeeze %dma_start3A_182 : memref<1x400xi32, #tpu.memory_space<vmem>> -> memref<400xi32, #tpu.memory_space<vmem>>
    %dma_start3A_184 = arith.constant 0 : i32
    %dma_start3A_185 = arith.constant 0 : i32
    %dma_start3A_186 = tpu.memref_slice %arg3[%dma_start3A_184, %dma_start3A_185] : memref<1000000x64xf32, #tpu.memory_space<hbm>> -> memref<1000000x64xf32, #tpu.memory_space<hbm>>
    tpu.enqueue_indirect_dma source(%dma_start3A_186 : memref<1000000x64xf32, #tpu.memory_space<hbm>>) target(%arg8 : memref<400x64xf32, #tpu.memory_space<vmem>>) offsets(%dma_start3A_183 : memref<400xi32, #tpu.memory_space<vmem>>) semaphore(%arg13 : memref<!tpu.dma_semaphore, #tpu.memory_space<semaphore_mem>>) {add = true}
    %dma_wait3A_187 = arith.constant 4 : i32
    %dma_wait3A_188 = arith.constant 0 : i32
    %dma_wait3A_189 = tpu.memref_slice %arg6[%dma_wait3A_187, %dma_wait3A_188] : memref<16x400xi32, #tpu.memory_space<vmem>> -> memref<1x400xi32, #tpu.memory_space<vmem>>
    %dma_wait3A_190 = tpu.memref_squeeze %dma_wait3A_189 : memref<1x400xi32, #tpu.memory_space<vmem>> -> memref<400xi32, #tpu.memory_space<vmem>>
    %dma_wait3A_191 = arith.constant 0 : i32
    %dma_wait3A_192 = arith.constant 0 : i32
    %dma_wait3A_193 = tpu.memref_slice %arg3[%dma_wait3A_191, %dma_wait3A_192] : memref<1000000x64xf32, #tpu.memory_space<hbm>> -> memref<1000000x64xf32, #tpu.memory_space<hbm>>
    tpu.wait_indirect_dma semaphore(%arg12 : memref<!tpu.dma_semaphore, #tpu.memory_space<semaphore_mem>>) src(%dma_wait3A_193 : memref<1000000x64xf32, #tpu.memory_space<hbm>>) dst(%arg7 : memref<400x64xf32, #tpu.memory_space<vmem>>)
    %add3A_194 = arith.constant 1600 : i32
    %add3A_195 = arith.addi %mul3A_2, %add3A_194 : i32
    %dma_start3A_196 = arith.constant 0 : i32
    %dma_start3A_197 = tpu.memref_slice %arg5[%add3A_195, %dma_start3A_196] : memref<204800x128xf32, #tpu.memory_space<hbm>> -> memref<400x64xf32, #tpu.memory_space<hbm>>
    %dma_start3A_198 = arith.constant 0 : i32
    %dma_start3A_199 = tpu.memref_slice %arg5[%add3A_195, %dma_start3A_198] : memref<204800x128xf32, #tpu.memory_space<hbm>> -> memref<400x64xf32, #tpu.memory_space<hbm>>
    tpu.enqueue_dma source(%arg7 : memref<400x64xf32, #tpu.memory_space<vmem>>) target(%dma_start3A_199 : memref<400x64xf32, #tpu.memory_space<hbm>>) target_semaphore(%arg20 : memref<!tpu.dma_semaphore, #tpu.memory_space<semaphore_mem>>)
    %dma_wait3A_200 = arith.constant 0 : i32
    %dma_wait3A_201 = tpu.memref_slice %arg5[%add3A_159, %dma_wait3A_200] : memref<204800x128xf32, #tpu.memory_space<hbm>> -> memref<400x64xf32, #tpu.memory_space<hbm>>
    %dma_wait3A_202 = arith.constant 0 : i32
    %dma_wait3A_203 = tpu.memref_slice %arg5[%add3A_159, %dma_wait3A_202] : memref<204800x128xf32, #tpu.memory_space<hbm>> -> memref<400x64xf32, #tpu.memory_space<hbm>>
    tpu.wait_dma2 semaphore(%arg20 : memref<!tpu.dma_semaphore, #tpu.memory_space<semaphore_mem>>) src(%arg10 : memref<400x64xf32, #tpu.memory_space<vmem>>) dst(%dma_wait3A_203 : memref<400x64xf32, #tpu.memory_space<hbm>>)
    %dma_start3A_204 = arith.constant 0 : i32
    %dma_start3A_205 = arith.constant 0 : i32
    %dma_start3A_206 = tpu.memref_slice %arg11[%dma_start3A_204, %dma_start3A_205] : memref<800x64xf32, #tpu.memory_space<vmem_shared>> -> memref<400x64xf32, #tpu.memory_space<vmem_shared>>
    %dma_start3A_207 = arith.constant 0 : i32
    %dma_start3A_208 = arith.constant 0 : i32
    %dma_start3A_209 = tpu.memref_slice %arg11[%dma_start3A_207, %dma_start3A_208] : memref<800x64xf32, #tpu.memory_space<vmem_shared>> -> memref<400x64xf32, #tpu.memory_space<vmem_shared>>
    tpu.enqueue_dma source(%dma_start3A_209 : memref<400x64xf32, #tpu.memory_space<vmem_shared>>) target(%arg10 : memref<400x64xf32, #tpu.memory_space<vmem>>) target_semaphore(%arg19 : memref<!tpu.dma_semaphore, #tpu.memory_space<semaphore_mem>>)
    %dma_wait3A_210 = arith.constant 0 : i32
    %dma_wait3A_211 = arith.constant 0 : i32
    %dma_wait3A_212 = tpu.memref_slice %arg11[%dma_wait3A_210, %dma_wait3A_211] : memref<800x64xf32, #tpu.memory_space<vmem_shared>> -> memref<400x64xf32, #tpu.memory_space<vmem_shared>>
    %dma_wait3A_213 = arith.constant 0 : i32
    %dma_wait3A_214 = arith.constant 0 : i32
    %dma_wait3A_215 = tpu.memref_slice %arg11[%dma_wait3A_213, %dma_wait3A_214] : memref<800x64xf32, #tpu.memory_space<vmem_shared>> -> memref<400x64xf32, #tpu.memory_space<vmem_shared>>
    tpu.wait_dma2 semaphore(%arg18 : memref<!tpu.dma_semaphore, #tpu.memory_space<semaphore_mem>>) src(%dma_wait3A_215 : memref<400x64xf32, #tpu.memory_space<vmem_shared>>) dst(%arg9 : memref<400x64xf32, #tpu.memory_space<vmem>>)
    %dma_start3A_216 = arith.constant 6 : i32
    %dma_start3A_217 = arith.constant 0 : i32
    %dma_start3A_218 = tpu.memref_slice %arg6[%dma_start3A_216, %dma_start3A_217] : memref<16x400xi32, #tpu.memory_space<vmem>> -> memref<1x400xi32, #tpu.memory_space<vmem>>
    %dma_start3A_219 = tpu.memref_squeeze %dma_start3A_218 : memref<1x400xi32, #tpu.memory_space<vmem>> -> memref<400xi32, #tpu.memory_space<vmem>>
    %dma_start3A_220 = arith.constant 0 : i32
    %dma_start3A_221 = arith.constant 0 : i32
    %dma_start3A_222 = tpu.memref_slice %arg3[%dma_start3A_220, %dma_start3A_221] : memref<1000000x64xf32, #tpu.memory_space<hbm>> -> memref<1000000x64xf32, #tpu.memory_space<hbm>>
    tpu.enqueue_indirect_dma source(%dma_start3A_222 : memref<1000000x64xf32, #tpu.memory_space<hbm>>) target(%arg9 : memref<400x64xf32, #tpu.memory_space<vmem>>) offsets(%dma_start3A_219 : memref<400xi32, #tpu.memory_space<vmem>>) semaphore(%arg14 : memref<!tpu.dma_semaphore, #tpu.memory_space<semaphore_mem>>) {add = true}
    %dma_wait3A_223 = arith.constant 5 : i32
    %dma_wait3A_224 = arith.constant 0 : i32
    %dma_wait3A_225 = tpu.memref_slice %arg6[%dma_wait3A_223, %dma_wait3A_224] : memref<16x400xi32, #tpu.memory_space<vmem>> -> memref<1x400xi32, #tpu.memory_space<vmem>>
    %dma_wait3A_226 = tpu.memref_squeeze %dma_wait3A_225 : memref<1x400xi32, #tpu.memory_space<vmem>> -> memref<400xi32, #tpu.memory_space<vmem>>
    %dma_wait3A_227 = arith.constant 0 : i32
    %dma_wait3A_228 = arith.constant 0 : i32
    %dma_wait3A_229 = tpu.memref_slice %arg3[%dma_wait3A_227, %dma_wait3A_228] : memref<1000000x64xf32, #tpu.memory_space<hbm>> -> memref<1000000x64xf32, #tpu.memory_space<hbm>>
    tpu.wait_indirect_dma semaphore(%arg13 : memref<!tpu.dma_semaphore, #tpu.memory_space<semaphore_mem>>) src(%dma_wait3A_229 : memref<1000000x64xf32, #tpu.memory_space<hbm>>) dst(%arg8 : memref<400x64xf32, #tpu.memory_space<vmem>>)
    %add3A_230 = arith.constant 2000 : i32
    %add3A_231 = arith.addi %mul3A_2, %add3A_230 : i32
    %dma_start3A_232 = arith.constant 0 : i32
    %dma_start3A_233 = tpu.memref_slice %arg5[%add3A_231, %dma_start3A_232] : memref<204800x128xf32, #tpu.memory_space<hbm>> -> memref<400x64xf32, #tpu.memory_space<hbm>>
    %dma_start3A_234 = arith.constant 0 : i32
    %dma_start3A_235 = tpu.memref_slice %arg5[%add3A_231, %dma_start3A_234] : memref<204800x128xf32, #tpu.memory_space<hbm>> -> memref<400x64xf32, #tpu.memory_space<hbm>>
    tpu.enqueue_dma source(%arg8 : memref<400x64xf32, #tpu.memory_space<vmem>>) target(%dma_start3A_235 : memref<400x64xf32, #tpu.memory_space<hbm>>) target_semaphore(%arg20 : memref<!tpu.dma_semaphore, #tpu.memory_space<semaphore_mem>>)
    %dma_wait3A_236 = arith.constant 0 : i32
    %dma_wait3A_237 = tpu.memref_slice %arg5[%add3A_195, %dma_wait3A_236] : memref<204800x128xf32, #tpu.memory_space<hbm>> -> memref<400x64xf32, #tpu.memory_space<hbm>>
    %dma_wait3A_238 = arith.constant 0 : i32
    %dma_wait3A_239 = tpu.memref_slice %arg5[%add3A_195, %dma_wait3A_238] : memref<204800x128xf32, #tpu.memory_space<hbm>> -> memref<400x64xf32, #tpu.memory_space<hbm>>
    tpu.wait_dma2 semaphore(%arg20 : memref<!tpu.dma_semaphore, #tpu.memory_space<semaphore_mem>>) src(%arg7 : memref<400x64xf32, #tpu.memory_space<vmem>>) dst(%dma_wait3A_239 : memref<400x64xf32, #tpu.memory_space<hbm>>)
    %dma_start3A_240 = arith.constant 0 : i32
    %dma_start3A_241 = arith.constant 0 : i32
    %dma_start3A_242 = tpu.memref_slice %arg11[%dma_start3A_240, %dma_start3A_241] : memref<800x64xf32, #tpu.memory_space<vmem_shared>> -> memref<400x64xf32, #tpu.memory_space<vmem_shared>>
    %dma_start3A_243 = arith.constant 0 : i32
    %dma_start3A_244 = arith.constant 0 : i32
    %dma_start3A_245 = tpu.memref_slice %arg11[%dma_start3A_243, %dma_start3A_244] : memref<800x64xf32, #tpu.memory_space<vmem_shared>> -> memref<400x64xf32, #tpu.memory_space<vmem_shared>>
    tpu.enqueue_dma source(%dma_start3A_245 : memref<400x64xf32, #tpu.memory_space<vmem_shared>>) target(%arg7 : memref<400x64xf32, #tpu.memory_space<vmem>>) target_semaphore(%arg16 : memref<!tpu.dma_semaphore, #tpu.memory_space<semaphore_mem>>)
    %dma_wait3A_246 = arith.constant 0 : i32
    %dma_wait3A_247 = arith.constant 0 : i32
    %dma_wait3A_248 = tpu.memref_slice %arg11[%dma_wait3A_246, %dma_wait3A_247] : memref<800x64xf32, #tpu.memory_space<vmem_shared>> -> memref<400x64xf32, #tpu.memory_space<vmem_shared>>
    %dma_wait3A_249 = arith.constant 0 : i32
    %dma_wait3A_250 = arith.constant 0 : i32
    %dma_wait3A_251 = tpu.memref_slice %arg11[%dma_wait3A_249, %dma_wait3A_250] : memref<800x64xf32, #tpu.memory_space<vmem_shared>> -> memref<400x64xf32, #tpu.memory_space<vmem_shared>>
    tpu.wait_dma2 semaphore(%arg19 : memref<!tpu.dma_semaphore, #tpu.memory_space<semaphore_mem>>) src(%dma_wait3A_251 : memref<400x64xf32, #tpu.memory_space<vmem_shared>>) dst(%arg10 : memref<400x64xf32, #tpu.memory_space<vmem>>)
    %dma_start3A_252 = arith.constant 7 : i32
    %dma_start3A_253 = arith.constant 0 : i32
    %dma_start3A_254 = tpu.memref_slice %arg6[%dma_start3A_252, %dma_start3A_253] : memref<16x400xi32, #tpu.memory_space<vmem>> -> memref<1x400xi32, #tpu.memory_space<vmem>>
    %dma_start3A_255 = tpu.memref_squeeze %dma_start3A_254 : memref<1x400xi32, #tpu.memory_space<vmem>> -> memref<400xi32, #tpu.memory_space<vmem>>
    %dma_start3A_256 = arith.constant 0 : i32
    %dma_start3A_257 = arith.constant 0 : i32
    %dma_start3A_258 = tpu.memref_slice %arg3[%dma_start3A_256, %dma_start3A_257] : memref<1000000x64xf32, #tpu.memory_space<hbm>> -> memref<1000000x64xf32, #tpu.memory_space<hbm>>
    tpu.enqueue_indirect_dma source(%dma_start3A_258 : memref<1000000x64xf32, #tpu.memory_space<hbm>>) target(%arg10 : memref<400x64xf32, #tpu.memory_space<vmem>>) offsets(%dma_start3A_255 : memref<400xi32, #tpu.memory_space<vmem>>) semaphore(%arg15 : memref<!tpu.dma_semaphore, #tpu.memory_space<semaphore_mem>>) {add = true}
    %dma_wait3A_259 = arith.constant 6 : i32
    %dma_wait3A_260 = arith.constant 0 : i32
    %dma_wait3A_261 = tpu.memref_slice %arg6[%dma_wait3A_259, %dma_wait3A_260] : memref<16x400xi32, #tpu.memory_space<vmem>> -> memref<1x400xi32, #tpu.memory_space<vmem>>
    %dma_wait3A_262 = tpu.memref_squeeze %dma_wait3A_261 : memref<1x400xi32, #tpu.memory_space<vmem>> -> memref<400xi32, #tpu.memory_space<vmem>>
    %dma_wait3A_263 = arith.constant 0 : i32
    %dma_wait3A_264 = arith.constant 0 : i32
    %dma_wait3A_265 = tpu.memref_slice %arg3[%dma_wait3A_263, %dma_wait3A_264] : memref<1000000x64xf32, #tpu.memory_space<hbm>> -> memref<1000000x64xf32, #tpu.memory_space<hbm>>
    tpu.wait_indirect_dma semaphore(%arg14 : memref<!tpu.dma_semaphore, #tpu.memory_space<semaphore_mem>>) src(%dma_wait3A_265 : memref<1000000x64xf32, #tpu.memory_space<hbm>>) dst(%arg9 : memref<400x64xf32, #tpu.memory_space<vmem>>)
    %add3A_266 = arith.constant 2400 : i32
    %add3A_267 = arith.addi %mul3A_2, %add3A_266 : i32
    %dma_start3A_268 = arith.constant 0 : i32
    %dma_start3A_269 = tpu.memref_slice %arg5[%add3A_267, %dma_start3A_268] : memref<204800x128xf32, #tpu.memory_space<hbm>> -> memref<400x64xf32, #tpu.memory_space<hbm>>
    %dma_start3A_270 = arith.constant 0 : i32
    %dma_start3A_271 = tpu.memref_slice %arg5[%add3A_267, %dma_start3A_270] : memref<204800x128xf32, #tpu.memory_space<hbm>> -> memref<400x64xf32, #tpu.memory_space<hbm>>
    tpu.enqueue_dma source(%arg9 : memref<400x64xf32, #tpu.memory_space<vmem>>) target(%dma_start3A_271 : memref<400x64xf32, #tpu.memory_space<hbm>>) target_semaphore(%arg20 : memref<!tpu.dma_semaphore, #tpu.memory_space<semaphore_mem>>)
    %dma_wait3A_272 = arith.constant 0 : i32
    %dma_wait3A_273 = tpu.memref_slice %arg5[%add3A_231, %dma_wait3A_272] : memref<204800x128xf32, #tpu.memory_space<hbm>> -> memref<400x64xf32, #tpu.memory_space<hbm>>
    %dma_wait3A_274 = arith.constant 0 : i32
    %dma_wait3A_275 = tpu.memref_slice %arg5[%add3A_231, %dma_wait3A_274] : memref<204800x128xf32, #tpu.memory_space<hbm>> -> memref<400x64xf32, #tpu.memory_space<hbm>>
    tpu.wait_dma2 semaphore(%arg20 : memref<!tpu.dma_semaphore, #tpu.memory_space<semaphore_mem>>) src(%arg8 : memref<400x64xf32, #tpu.memory_space<vmem>>) dst(%dma_wait3A_275 : memref<400x64xf32, #tpu.memory_space<hbm>>)
    %dma_start3A_276 = arith.constant 0 : i32
    %dma_start3A_277 = arith.constant 0 : i32
    %dma_start3A_278 = tpu.memref_slice %arg11[%dma_start3A_276, %dma_start3A_277] : memref<800x64xf32, #tpu.memory_space<vmem_shared>> -> memref<400x64xf32, #tpu.memory_space<vmem_shared>>
    %dma_start3A_279 = arith.constant 0 : i32
    %dma_start3A_280 = arith.constant 0 : i32
    %dma_start3A_281 = tpu.memref_slice %arg11[%dma_start3A_279, %dma_start3A_280] : memref<800x64xf32, #tpu.memory_space<vmem_shared>> -> memref<400x64xf32, #tpu.memory_space<vmem_shared>>
    tpu.enqueue_dma source(%dma_start3A_281 : memref<400x64xf32, #tpu.memory_space<vmem_shared>>) target(%arg8 : memref<400x64xf32, #tpu.memory_space<vmem>>) target_semaphore(%arg17 : memref<!tpu.dma_semaphore, #tpu.memory_space<semaphore_mem>>)
    %dma_wait3A_282 = arith.constant 0 : i32
    %dma_wait3A_283 = arith.constant 0 : i32
    %dma_wait3A_284 = tpu.memref_slice %arg11[%dma_wait3A_282, %dma_wait3A_283] : memref<800x64xf32, #tpu.memory_space<vmem_shared>> -> memref<400x64xf32, #tpu.memory_space<vmem_shared>>
    %dma_wait3A_285 = arith.constant 0 : i32
    %dma_wait3A_286 = arith.constant 0 : i32
    %dma_wait3A_287 = tpu.memref_slice %arg11[%dma_wait3A_285, %dma_wait3A_286] : memref<800x64xf32, #tpu.memory_space<vmem_shared>> -> memref<400x64xf32, #tpu.memory_space<vmem_shared>>
    tpu.wait_dma2 semaphore(%arg16 : memref<!tpu.dma_semaphore, #tpu.memory_space<semaphore_mem>>) src(%dma_wait3A_287 : memref<400x64xf32, #tpu.memory_space<vmem_shared>>) dst(%arg7 : memref<400x64xf32, #tpu.memory_space<vmem>>)
    %dma_start3A_288 = arith.constant 8 : i32
    %dma_start3A_289 = arith.constant 0 : i32
    %dma_start3A_290 = tpu.memref_slice %arg6[%dma_start3A_288, %dma_start3A_289] : memref<16x400xi32, #tpu.memory_space<vmem>> -> memref<1x400xi32, #tpu.memory_space<vmem>>
    %dma_start3A_291 = tpu.memref_squeeze %dma_start3A_290 : memref<1x400xi32, #tpu.memory_space<vmem>> -> memref<400xi32, #tpu.memory_space<vmem>>
    %dma_start3A_292 = arith.constant 0 : i32
    %dma_start3A_293 = arith.constant 0 : i32
    %dma_start3A_294 = tpu.memref_slice %arg3[%dma_start3A_292, %dma_start3A_293] : memref<1000000x64xf32, #tpu.memory_space<hbm>> -> memref<1000000x64xf32, #tpu.memory_space<hbm>>
    tpu.enqueue_indirect_dma source(%dma_start3A_294 : memref<1000000x64xf32, #tpu.memory_space<hbm>>) target(%arg7 : memref<400x64xf32, #tpu.memory_space<vmem>>) offsets(%dma_start3A_291 : memref<400xi32, #tpu.memory_space<vmem>>) semaphore(%arg12 : memref<!tpu.dma_semaphore, #tpu.memory_space<semaphore_mem>>) {add = true}
    %dma_wait3A_295 = arith.constant 7 : i32
    %dma_wait3A_296 = arith.constant 0 : i32
    %dma_wait3A_297 = tpu.memref_slice %arg6[%dma_wait3A_295, %dma_wait3A_296] : memref<16x400xi32, #tpu.memory_space<vmem>> -> memref<1x400xi32, #tpu.memory_space<vmem>>
    %dma_wait3A_298 = tpu.memref_squeeze %dma_wait3A_297 : memref<1x400xi32, #tpu.memory_space<vmem>> -> memref<400xi32, #tpu.memory_space<vmem>>
    %dma_wait3A_299 = arith.constant 0 : i32
    %dma_wait3A_300 = arith.constant 0 : i32
    %dma_wait3A_301 = tpu.memref_slice %arg3[%dma_wait3A_299, %dma_wait3A_300] : memref<1000000x64xf32, #tpu.memory_space<hbm>> -> memref<1000000x64xf32, #tpu.memory_space<hbm>>
    tpu.wait_indirect_dma semaphore(%arg15 : memref<!tpu.dma_semaphore, #tpu.memory_space<semaphore_mem>>) src(%dma_wait3A_301 : memref<1000000x64xf32, #tpu.memory_space<hbm>>) dst(%arg10 : memref<400x64xf32, #tpu.memory_space<vmem>>)
    %add3A_302 = arith.constant 2800 : i32
    %add3A_303 = arith.addi %mul3A_2, %add3A_302 : i32
    %dma_start3A_304 = arith.constant 0 : i32
    %dma_start3A_305 = tpu.memref_slice %arg5[%add3A_303, %dma_start3A_304] : memref<204800x128xf32, #tpu.memory_space<hbm>> -> memref<400x64xf32, #tpu.memory_space<hbm>>
    %dma_start3A_306 = arith.constant 0 : i32
    %dma_start3A_307 = tpu.memref_slice %arg5[%add3A_303, %dma_start3A_306] : memref<204800x128xf32, #tpu.memory_space<hbm>> -> memref<400x64xf32, #tpu.memory_space<hbm>>
    tpu.enqueue_dma source(%arg10 : memref<400x64xf32, #tpu.memory_space<vmem>>) target(%dma_start3A_307 : memref<400x64xf32, #tpu.memory_space<hbm>>) target_semaphore(%arg20 : memref<!tpu.dma_semaphore, #tpu.memory_space<semaphore_mem>>)
    %dma_wait3A_308 = arith.constant 0 : i32
    %dma_wait3A_309 = tpu.memref_slice %arg5[%add3A_267, %dma_wait3A_308] : memref<204800x128xf32, #tpu.memory_space<hbm>> -> memref<400x64xf32, #tpu.memory_space<hbm>>
    %dma_wait3A_310 = arith.constant 0 : i32
    %dma_wait3A_311 = tpu.memref_slice %arg5[%add3A_267, %dma_wait3A_310] : memref<204800x128xf32, #tpu.memory_space<hbm>> -> memref<400x64xf32, #tpu.memory_space<hbm>>
    tpu.wait_dma2 semaphore(%arg20 : memref<!tpu.dma_semaphore, #tpu.memory_space<semaphore_mem>>) src(%arg9 : memref<400x64xf32, #tpu.memory_space<vmem>>) dst(%dma_wait3A_311 : memref<400x64xf32, #tpu.memory_space<hbm>>)
    %dma_start3A_312 = arith.constant 0 : i32
    %dma_start3A_313 = arith.constant 0 : i32
    %dma_start3A_314 = tpu.memref_slice %arg11[%dma_start3A_312, %dma_start3A_313] : memref<800x64xf32, #tpu.memory_space<vmem_shared>> -> memref<400x64xf32, #tpu.memory_space<vmem_shared>>
    %dma_start3A_315 = arith.constant 0 : i32
    %dma_start3A_316 = arith.constant 0 : i32
    %dma_start3A_317 = tpu.memref_slice %arg11[%dma_start3A_315, %dma_start3A_316] : memref<800x64xf32, #tpu.memory_space<vmem_shared>> -> memref<400x64xf32, #tpu.memory_space<vmem_shared>>
    tpu.enqueue_dma source(%dma_start3A_317 : memref<400x64xf32, #tpu.memory_space<vmem_shared>>) target(%arg9 : memref<400x64xf32, #tpu.memory_space<vmem>>) target_semaphore(%arg18 : memref<!tpu.dma_semaphore, #tpu.memory_space<semaphore_mem>>)
    %dma_wait3A_318 = arith.constant 0 : i32
    %dma_wait3A_319 = arith.constant 0 : i32
    %dma_wait3A_320 = tpu.memref_slice %arg11[%dma_wait3A_318, %dma_wait3A_319] : memref<800x64xf32, #tpu.memory_space<vmem_shared>> -> memref<400x64xf32, #tpu.memory_space<vmem_shared>>
    %dma_wait3A_321 = arith.constant 0 : i32
    %dma_wait3A_322 = arith.constant 0 : i32
    %dma_wait3A_323 = tpu.memref_slice %arg11[%dma_wait3A_321, %dma_wait3A_322] : memref<800x64xf32, #tpu.memory_space<vmem_shared>> -> memref<400x64xf32, #tpu.memory_space<vmem_shared>>
    tpu.wait_dma2 semaphore(%arg17 : memref<!tpu.dma_semaphore, #tpu.memory_space<semaphore_mem>>) src(%dma_wait3A_323 : memref<400x64xf32, #tpu.memory_space<vmem_shared>>) dst(%arg8 : memref<400x64xf32, #tpu.memory_space<vmem>>)
    %dma_start3A_324 = arith.constant 9 : i32
    %dma_start3A_325 = arith.constant 0 : i32
    %dma_start3A_326 = tpu.memref_slice %arg6[%dma_start3A_324, %dma_start3A_325] : memref<16x400xi32, #tpu.memory_space<vmem>> -> memref<1x400xi32, #tpu.memory_space<vmem>>
    %dma_start3A_327 = tpu.memref_squeeze %dma_start3A_326 : memref<1x400xi32, #tpu.memory_space<vmem>> -> memref<400xi32, #tpu.memory_space<vmem>>
    %dma_start3A_328 = arith.constant 0 : i32
    %dma_start3A_329 = arith.constant 0 : i32
    %dma_start3A_330 = tpu.memref_slice %arg3[%dma_start3A_328, %dma_start3A_329] : memref<1000000x64xf32, #tpu.memory_space<hbm>> -> memref<1000000x64xf32, #tpu.memory_space<hbm>>
    tpu.enqueue_indirect_dma source(%dma_start3A_330 : memref<1000000x64xf32, #tpu.memory_space<hbm>>) target(%arg8 : memref<400x64xf32, #tpu.memory_space<vmem>>) offsets(%dma_start3A_327 : memref<400xi32, #tpu.memory_space<vmem>>) semaphore(%arg13 : memref<!tpu.dma_semaphore, #tpu.memory_space<semaphore_mem>>) {add = true}
    %dma_wait3A_331 = arith.constant 8 : i32
    %dma_wait3A_332 = arith.constant 0 : i32
    %dma_wait3A_333 = tpu.memref_slice %arg6[%dma_wait3A_331, %dma_wait3A_332] : memref<16x400xi32, #tpu.memory_space<vmem>> -> memref<1x400xi32, #tpu.memory_space<vmem>>
    %dma_wait3A_334 = tpu.memref_squeeze %dma_wait3A_333 : memref<1x400xi32, #tpu.memory_space<vmem>> -> memref<400xi32, #tpu.memory_space<vmem>>
    %dma_wait3A_335 = arith.constant 0 : i32
    %dma_wait3A_336 = arith.constant 0 : i32
    %dma_wait3A_337 = tpu.memref_slice %arg3[%dma_wait3A_335, %dma_wait3A_336] : memref<1000000x64xf32, #tpu.memory_space<hbm>> -> memref<1000000x64xf32, #tpu.memory_space<hbm>>
    tpu.wait_indirect_dma semaphore(%arg12 : memref<!tpu.dma_semaphore, #tpu.memory_space<semaphore_mem>>) src(%dma_wait3A_337 : memref<1000000x64xf32, #tpu.memory_space<hbm>>) dst(%arg7 : memref<400x64xf32, #tpu.memory_space<vmem>>)
    %add3A_338 = arith.constant 3200 : i32
    %add3A_339 = arith.addi %mul3A_2, %add3A_338 : i32
    %dma_start3A_340 = arith.constant 0 : i32
    %dma_start3A_341 = tpu.memref_slice %arg5[%add3A_339, %dma_start3A_340] : memref<204800x128xf32, #tpu.memory_space<hbm>> -> memref<400x64xf32, #tpu.memory_space<hbm>>
    %dma_start3A_342 = arith.constant 0 : i32
    %dma_start3A_343 = tpu.memref_slice %arg5[%add3A_339, %dma_start3A_342] : memref<204800x128xf32, #tpu.memory_space<hbm>> -> memref<400x64xf32, #tpu.memory_space<hbm>>
    tpu.enqueue_dma source(%arg7 : memref<400x64xf32, #tpu.memory_space<vmem>>) target(%dma_start3A_343 : memref<400x64xf32, #tpu.memory_space<hbm>>) target_semaphore(%arg20 : memref<!tpu.dma_semaphore, #tpu.memory_space<semaphore_mem>>)
    %dma_wait3A_344 = arith.constant 0 : i32
    %dma_wait3A_345 = tpu.memref_slice %arg5[%add3A_303, %dma_wait3A_344] : memref<204800x128xf32, #tpu.memory_space<hbm>> -> memref<400x64xf32, #tpu.memory_space<hbm>>
    %dma_wait3A_346 = arith.constant 0 : i32
    %dma_wait3A_347 = tpu.memref_slice %arg5[%add3A_303, %dma_wait3A_346] : memref<204800x128xf32, #tpu.memory_space<hbm>> -> memref<400x64xf32, #tpu.memory_space<hbm>>
    tpu.wait_dma2 semaphore(%arg20 : memref<!tpu.dma_semaphore, #tpu.memory_space<semaphore_mem>>) src(%arg10 : memref<400x64xf32, #tpu.memory_space<vmem>>) dst(%dma_wait3A_347 : memref<400x64xf32, #tpu.memory_space<hbm>>)
    %dma_start3A_348 = arith.constant 0 : i32
    %dma_start3A_349 = arith.constant 0 : i32
    %dma_start3A_350 = tpu.memref_slice %arg11[%dma_start3A_348, %dma_start3A_349] : memref<800x64xf32, #tpu.memory_space<vmem_shared>> -> memref<400x64xf32, #tpu.memory_space<vmem_shared>>
    %dma_start3A_351 = arith.constant 0 : i32
    %dma_start3A_352 = arith.constant 0 : i32
    %dma_start3A_353 = tpu.memref_slice %arg11[%dma_start3A_351, %dma_start3A_352] : memref<800x64xf32, #tpu.memory_space<vmem_shared>> -> memref<400x64xf32, #tpu.memory_space<vmem_shared>>
    tpu.enqueue_dma source(%dma_start3A_353 : memref<400x64xf32, #tpu.memory_space<vmem_shared>>) target(%arg10 : memref<400x64xf32, #tpu.memory_space<vmem>>) target_semaphore(%arg19 : memref<!tpu.dma_semaphore, #tpu.memory_space<semaphore_mem>>)
    %dma_wait3A_354 = arith.constant 0 : i32
    %dma_wait3A_355 = arith.constant 0 : i32
    %dma_wait3A_356 = tpu.memref_slice %arg11[%dma_wait3A_354, %dma_wait3A_355] : memref<800x64xf32, #tpu.memory_space<vmem_shared>> -> memref<400x64xf32, #tpu.memory_space<vmem_shared>>
    %dma_wait3A_357 = arith.constant 0 : i32
    %dma_wait3A_358 = arith.constant 0 : i32
    %dma_wait3A_359 = tpu.memref_slice %arg11[%dma_wait3A_357, %dma_wait3A_358] : memref<800x64xf32, #tpu.memory_space<vmem_shared>> -> memref<400x64xf32, #tpu.memory_space<vmem_shared>>
    tpu.wait_dma2 semaphore(%arg18 : memref<!tpu.dma_semaphore, #tpu.memory_space<semaphore_mem>>) src(%dma_wait3A_359 : memref<400x64xf32, #tpu.memory_space<vmem_shared>>) dst(%arg9 : memref<400x64xf32, #tpu.memory_space<vmem>>)
    %dma_start3A_360 = arith.constant 10 : i32
    %dma_start3A_361 = arith.constant 0 : i32
    %dma_start3A_362 = tpu.memref_slice %arg6[%dma_start3A_360, %dma_start3A_361] : memref<16x400xi32, #tpu.memory_space<vmem>> -> memref<1x400xi32, #tpu.memory_space<vmem>>
    %dma_start3A_363 = tpu.memref_squeeze %dma_start3A_362 : memref<1x400xi32, #tpu.memory_space<vmem>> -> memref<400xi32, #tpu.memory_space<vmem>>
    %dma_start3A_364 = arith.constant 0 : i32
    %dma_start3A_365 = arith.constant 0 : i32
    %dma_start3A_366 = tpu.memref_slice %arg3[%dma_start3A_364, %dma_start3A_365] : memref<1000000x64xf32, #tpu.memory_space<hbm>> -> memref<1000000x64xf32, #tpu.memory_space<hbm>>
    tpu.enqueue_indirect_dma source(%dma_start3A_366 : memref<1000000x64xf32, #tpu.memory_space<hbm>>) target(%arg9 : memref<400x64xf32, #tpu.memory_space<vmem>>) offsets(%dma_start3A_363 : memref<400xi32, #tpu.memory_space<vmem>>) semaphore(%arg14 : memref<!tpu.dma_semaphore, #tpu.memory_space<semaphore_mem>>) {add = true}
    %dma_wait3A_367 = arith.constant 9 : i32
    %dma_wait3A_368 = arith.constant 0 : i32
    %dma_wait3A_369 = tpu.memref_slice %arg6[%dma_wait3A_367, %dma_wait3A_368] : memref<16x400xi32, #tpu.memory_space<vmem>> -> memref<1x400xi32, #tpu.memory_space<vmem>>
    %dma_wait3A_370 = tpu.memref_squeeze %dma_wait3A_369 : memref<1x400xi32, #tpu.memory_space<vmem>> -> memref<400xi32, #tpu.memory_space<vmem>>
    %dma_wait3A_371 = arith.constant 0 : i32
    %dma_wait3A_372 = arith.constant 0 : i32
    %dma_wait3A_373 = tpu.memref_slice %arg3[%dma_wait3A_371, %dma_wait3A_372] : memref<1000000x64xf32, #tpu.memory_space<hbm>> -> memref<1000000x64xf32, #tpu.memory_space<hbm>>
    tpu.wait_indirect_dma semaphore(%arg13 : memref<!tpu.dma_semaphore, #tpu.memory_space<semaphore_mem>>) src(%dma_wait3A_373 : memref<1000000x64xf32, #tpu.memory_space<hbm>>) dst(%arg8 : memref<400x64xf32, #tpu.memory_space<vmem>>)
    %add3A_374 = arith.constant 3600 : i32
    %add3A_375 = arith.addi %mul3A_2, %add3A_374 : i32
    %dma_start3A_376 = arith.constant 0 : i32
    %dma_start3A_377 = tpu.memref_slice %arg5[%add3A_375, %dma_start3A_376] : memref<204800x128xf32, #tpu.memory_space<hbm>> -> memref<400x64xf32, #tpu.memory_space<hbm>>
    %dma_start3A_378 = arith.constant 0 : i32
    %dma_start3A_379 = tpu.memref_slice %arg5[%add3A_375, %dma_start3A_378] : memref<204800x128xf32, #tpu.memory_space<hbm>> -> memref<400x64xf32, #tpu.memory_space<hbm>>
    tpu.enqueue_dma source(%arg8 : memref<400x64xf32, #tpu.memory_space<vmem>>) target(%dma_start3A_379 : memref<400x64xf32, #tpu.memory_space<hbm>>) target_semaphore(%arg20 : memref<!tpu.dma_semaphore, #tpu.memory_space<semaphore_mem>>)
    %dma_wait3A_380 = arith.constant 0 : i32
    %dma_wait3A_381 = tpu.memref_slice %arg5[%add3A_339, %dma_wait3A_380] : memref<204800x128xf32, #tpu.memory_space<hbm>> -> memref<400x64xf32, #tpu.memory_space<hbm>>
    %dma_wait3A_382 = arith.constant 0 : i32
    %dma_wait3A_383 = tpu.memref_slice %arg5[%add3A_339, %dma_wait3A_382] : memref<204800x128xf32, #tpu.memory_space<hbm>> -> memref<400x64xf32, #tpu.memory_space<hbm>>
    tpu.wait_dma2 semaphore(%arg20 : memref<!tpu.dma_semaphore, #tpu.memory_space<semaphore_mem>>) src(%arg7 : memref<400x64xf32, #tpu.memory_space<vmem>>) dst(%dma_wait3A_383 : memref<400x64xf32, #tpu.memory_space<hbm>>)
    %dma_start3A_384 = arith.constant 0 : i32
    %dma_start3A_385 = arith.constant 0 : i32
    %dma_start3A_386 = tpu.memref_slice %arg11[%dma_start3A_384, %dma_start3A_385] : memref<800x64xf32, #tpu.memory_space<vmem_shared>> -> memref<400x64xf32, #tpu.memory_space<vmem_shared>>
    %dma_start3A_387 = arith.constant 0 : i32
    %dma_start3A_388 = arith.constant 0 : i32
    %dma_start3A_389 = tpu.memref_slice %arg11[%dma_start3A_387, %dma_start3A_388] : memref<800x64xf32, #tpu.memory_space<vmem_shared>> -> memref<400x64xf32, #tpu.memory_space<vmem_shared>>
    tpu.enqueue_dma source(%dma_start3A_389 : memref<400x64xf32, #tpu.memory_space<vmem_shared>>) target(%arg7 : memref<400x64xf32, #tpu.memory_space<vmem>>) target_semaphore(%arg16 : memref<!tpu.dma_semaphore, #tpu.memory_space<semaphore_mem>>)
    %dma_wait3A_390 = arith.constant 0 : i32
    %dma_wait3A_391 = arith.constant 0 : i32
    %dma_wait3A_392 = tpu.memref_slice %arg11[%dma_wait3A_390, %dma_wait3A_391] : memref<800x64xf32, #tpu.memory_space<vmem_shared>> -> memref<400x64xf32, #tpu.memory_space<vmem_shared>>
    %dma_wait3A_393 = arith.constant 0 : i32
    %dma_wait3A_394 = arith.constant 0 : i32
    %dma_wait3A_395 = tpu.memref_slice %arg11[%dma_wait3A_393, %dma_wait3A_394] : memref<800x64xf32, #tpu.memory_space<vmem_shared>> -> memref<400x64xf32, #tpu.memory_space<vmem_shared>>
    tpu.wait_dma2 semaphore(%arg19 : memref<!tpu.dma_semaphore, #tpu.memory_space<semaphore_mem>>) src(%dma_wait3A_395 : memref<400x64xf32, #tpu.memory_space<vmem_shared>>) dst(%arg10 : memref<400x64xf32, #tpu.memory_space<vmem>>)
    %dma_start3A_396 = arith.constant 11 : i32
    %dma_start3A_397 = arith.constant 0 : i32
    %dma_start3A_398 = tpu.memref_slice %arg6[%dma_start3A_396, %dma_start3A_397] : memref<16x400xi32, #tpu.memory_space<vmem>> -> memref<1x400xi32, #tpu.memory_space<vmem>>
    %dma_start3A_399 = tpu.memref_squeeze %dma_start3A_398 : memref<1x400xi32, #tpu.memory_space<vmem>> -> memref<400xi32, #tpu.memory_space<vmem>>
    %dma_start3A_400 = arith.constant 0 : i32
    %dma_start3A_401 = arith.constant 0 : i32
    %dma_start3A_402 = tpu.memref_slice %arg3[%dma_start3A_400, %dma_start3A_401] : memref<1000000x64xf32, #tpu.memory_space<hbm>> -> memref<1000000x64xf32, #tpu.memory_space<hbm>>
    tpu.enqueue_indirect_dma source(%dma_start3A_402 : memref<1000000x64xf32, #tpu.memory_space<hbm>>) target(%arg10 : memref<400x64xf32, #tpu.memory_space<vmem>>) offsets(%dma_start3A_399 : memref<400xi32, #tpu.memory_space<vmem>>) semaphore(%arg15 : memref<!tpu.dma_semaphore, #tpu.memory_space<semaphore_mem>>) {add = true}
    %dma_wait3A_403 = arith.constant 10 : i32
    %dma_wait3A_404 = arith.constant 0 : i32
    %dma_wait3A_405 = tpu.memref_slice %arg6[%dma_wait3A_403, %dma_wait3A_404] : memref<16x400xi32, #tpu.memory_space<vmem>> -> memref<1x400xi32, #tpu.memory_space<vmem>>
    %dma_wait3A_406 = tpu.memref_squeeze %dma_wait3A_405 : memref<1x400xi32, #tpu.memory_space<vmem>> -> memref<400xi32, #tpu.memory_space<vmem>>
    %dma_wait3A_407 = arith.constant 0 : i32
    %dma_wait3A_408 = arith.constant 0 : i32
    %dma_wait3A_409 = tpu.memref_slice %arg3[%dma_wait3A_407, %dma_wait3A_408] : memref<1000000x64xf32, #tpu.memory_space<hbm>> -> memref<1000000x64xf32, #tpu.memory_space<hbm>>
    tpu.wait_indirect_dma semaphore(%arg14 : memref<!tpu.dma_semaphore, #tpu.memory_space<semaphore_mem>>) src(%dma_wait3A_409 : memref<1000000x64xf32, #tpu.memory_space<hbm>>) dst(%arg9 : memref<400x64xf32, #tpu.memory_space<vmem>>)
    %add3A_410 = arith.constant 4000 : i32
    %add3A_411 = arith.addi %mul3A_2, %add3A_410 : i32
    %dma_start3A_412 = arith.constant 0 : i32
    %dma_start3A_413 = tpu.memref_slice %arg5[%add3A_411, %dma_start3A_412] : memref<204800x128xf32, #tpu.memory_space<hbm>> -> memref<400x64xf32, #tpu.memory_space<hbm>>
    %dma_start3A_414 = arith.constant 0 : i32
    %dma_start3A_415 = tpu.memref_slice %arg5[%add3A_411, %dma_start3A_414] : memref<204800x128xf32, #tpu.memory_space<hbm>> -> memref<400x64xf32, #tpu.memory_space<hbm>>
    tpu.enqueue_dma source(%arg9 : memref<400x64xf32, #tpu.memory_space<vmem>>) target(%dma_start3A_415 : memref<400x64xf32, #tpu.memory_space<hbm>>) target_semaphore(%arg20 : memref<!tpu.dma_semaphore, #tpu.memory_space<semaphore_mem>>)
    %dma_wait3A_416 = arith.constant 0 : i32
    %dma_wait3A_417 = tpu.memref_slice %arg5[%add3A_375, %dma_wait3A_416] : memref<204800x128xf32, #tpu.memory_space<hbm>> -> memref<400x64xf32, #tpu.memory_space<hbm>>
    %dma_wait3A_418 = arith.constant 0 : i32
    %dma_wait3A_419 = tpu.memref_slice %arg5[%add3A_375, %dma_wait3A_418] : memref<204800x128xf32, #tpu.memory_space<hbm>> -> memref<400x64xf32, #tpu.memory_space<hbm>>
    tpu.wait_dma2 semaphore(%arg20 : memref<!tpu.dma_semaphore, #tpu.memory_space<semaphore_mem>>) src(%arg8 : memref<400x64xf32, #tpu.memory_space<vmem>>) dst(%dma_wait3A_419 : memref<400x64xf32, #tpu.memory_space<hbm>>)
    %dma_start3A_420 = arith.constant 0 : i32
    %dma_start3A_421 = arith.constant 0 : i32
    %dma_start3A_422 = tpu.memref_slice %arg11[%dma_start3A_420, %dma_start3A_421] : memref<800x64xf32, #tpu.memory_space<vmem_shared>> -> memref<400x64xf32, #tpu.memory_space<vmem_shared>>
    %dma_start3A_423 = arith.constant 0 : i32
    %dma_start3A_424 = arith.constant 0 : i32
    %dma_start3A_425 = tpu.memref_slice %arg11[%dma_start3A_423, %dma_start3A_424] : memref<800x64xf32, #tpu.memory_space<vmem_shared>> -> memref<400x64xf32, #tpu.memory_space<vmem_shared>>
    tpu.enqueue_dma source(%dma_start3A_425 : memref<400x64xf32, #tpu.memory_space<vmem_shared>>) target(%arg8 : memref<400x64xf32, #tpu.memory_space<vmem>>) target_semaphore(%arg17 : memref<!tpu.dma_semaphore, #tpu.memory_space<semaphore_mem>>)
    %dma_wait3A_426 = arith.constant 0 : i32
    %dma_wait3A_427 = arith.constant 0 : i32
    %dma_wait3A_428 = tpu.memref_slice %arg11[%dma_wait3A_426, %dma_wait3A_427] : memref<800x64xf32, #tpu.memory_space<vmem_shared>> -> memref<400x64xf32, #tpu.memory_space<vmem_shared>>
    %dma_wait3A_429 = arith.constant 0 : i32
    %dma_wait3A_430 = arith.constant 0 : i32
    %dma_wait3A_431 = tpu.memref_slice %arg11[%dma_wait3A_429, %dma_wait3A_430] : memref<800x64xf32, #tpu.memory_space<vmem_shared>> -> memref<400x64xf32, #tpu.memory_space<vmem_shared>>
    tpu.wait_dma2 semaphore(%arg16 : memref<!tpu.dma_semaphore, #tpu.memory_space<semaphore_mem>>) src(%dma_wait3A_431 : memref<400x64xf32, #tpu.memory_space<vmem_shared>>) dst(%arg7 : memref<400x64xf32, #tpu.memory_space<vmem>>)
    %dma_start3A_432 = arith.constant 12 : i32
    %dma_start3A_433 = arith.constant 0 : i32
    %dma_start3A_434 = tpu.memref_slice %arg6[%dma_start3A_432, %dma_start3A_433] : memref<16x400xi32, #tpu.memory_space<vmem>> -> memref<1x400xi32, #tpu.memory_space<vmem>>
    %dma_start3A_435 = tpu.memref_squeeze %dma_start3A_434 : memref<1x400xi32, #tpu.memory_space<vmem>> -> memref<400xi32, #tpu.memory_space<vmem>>
    %dma_start3A_436 = arith.constant 0 : i32
    %dma_start3A_437 = arith.constant 0 : i32
    %dma_start3A_438 = tpu.memref_slice %arg3[%dma_start3A_436, %dma_start3A_437] : memref<1000000x64xf32, #tpu.memory_space<hbm>> -> memref<1000000x64xf32, #tpu.memory_space<hbm>>
    tpu.enqueue_indirect_dma source(%dma_start3A_438 : memref<1000000x64xf32, #tpu.memory_space<hbm>>) target(%arg7 : memref<400x64xf32, #tpu.memory_space<vmem>>) offsets(%dma_start3A_435 : memref<400xi32, #tpu.memory_space<vmem>>) semaphore(%arg12 : memref<!tpu.dma_semaphore, #tpu.memory_space<semaphore_mem>>) {add = true}
    %dma_wait3A_439 = arith.constant 11 : i32
    %dma_wait3A_440 = arith.constant 0 : i32
    %dma_wait3A_441 = tpu.memref_slice %arg6[%dma_wait3A_439, %dma_wait3A_440] : memref<16x400xi32, #tpu.memory_space<vmem>> -> memref<1x400xi32, #tpu.memory_space<vmem>>
    %dma_wait3A_442 = tpu.memref_squeeze %dma_wait3A_441 : memref<1x400xi32, #tpu.memory_space<vmem>> -> memref<400xi32, #tpu.memory_space<vmem>>
    %dma_wait3A_443 = arith.constant 0 : i32
    %dma_wait3A_444 = arith.constant 0 : i32
    %dma_wait3A_445 = tpu.memref_slice %arg3[%dma_wait3A_443, %dma_wait3A_444] : memref<1000000x64xf32, #tpu.memory_space<hbm>> -> memref<1000000x64xf32, #tpu.memory_space<hbm>>
    tpu.wait_indirect_dma semaphore(%arg15 : memref<!tpu.dma_semaphore, #tpu.memory_space<semaphore_mem>>) src(%dma_wait3A_445 : memref<1000000x64xf32, #tpu.memory_space<hbm>>) dst(%arg10 : memref<400x64xf32, #tpu.memory_space<vmem>>)
    %add3A_446 = arith.constant 4400 : i32
    %add3A_447 = arith.addi %mul3A_2, %add3A_446 : i32
    %dma_start3A_448 = arith.constant 0 : i32
    %dma_start3A_449 = tpu.memref_slice %arg5[%add3A_447, %dma_start3A_448] : memref<204800x128xf32, #tpu.memory_space<hbm>> -> memref<400x64xf32, #tpu.memory_space<hbm>>
    %dma_start3A_450 = arith.constant 0 : i32
    %dma_start3A_451 = tpu.memref_slice %arg5[%add3A_447, %dma_start3A_450] : memref<204800x128xf32, #tpu.memory_space<hbm>> -> memref<400x64xf32, #tpu.memory_space<hbm>>
    tpu.enqueue_dma source(%arg10 : memref<400x64xf32, #tpu.memory_space<vmem>>) target(%dma_start3A_451 : memref<400x64xf32, #tpu.memory_space<hbm>>) target_semaphore(%arg20 : memref<!tpu.dma_semaphore, #tpu.memory_space<semaphore_mem>>)
    %dma_wait3A_452 = arith.constant 0 : i32
    %dma_wait3A_453 = tpu.memref_slice %arg5[%add3A_411, %dma_wait3A_452] : memref<204800x128xf32, #tpu.memory_space<hbm>> -> memref<400x64xf32, #tpu.memory_space<hbm>>
    %dma_wait3A_454 = arith.constant 0 : i32
    %dma_wait3A_455 = tpu.memref_slice %arg5[%add3A_411, %dma_wait3A_454] : memref<204800x128xf32, #tpu.memory_space<hbm>> -> memref<400x64xf32, #tpu.memory_space<hbm>>
    tpu.wait_dma2 semaphore(%arg20 : memref<!tpu.dma_semaphore, #tpu.memory_space<semaphore_mem>>) src(%arg9 : memref<400x64xf32, #tpu.memory_space<vmem>>) dst(%dma_wait3A_455 : memref<400x64xf32, #tpu.memory_space<hbm>>)
    %dma_start3A_456 = arith.constant 0 : i32
    %dma_start3A_457 = arith.constant 0 : i32
    %dma_start3A_458 = tpu.memref_slice %arg11[%dma_start3A_456, %dma_start3A_457] : memref<800x64xf32, #tpu.memory_space<vmem_shared>> -> memref<400x64xf32, #tpu.memory_space<vmem_shared>>
    %dma_start3A_459 = arith.constant 0 : i32
    %dma_start3A_460 = arith.constant 0 : i32
    %dma_start3A_461 = tpu.memref_slice %arg11[%dma_start3A_459, %dma_start3A_460] : memref<800x64xf32, #tpu.memory_space<vmem_shared>> -> memref<400x64xf32, #tpu.memory_space<vmem_shared>>
    tpu.enqueue_dma source(%dma_start3A_461 : memref<400x64xf32, #tpu.memory_space<vmem_shared>>) target(%arg9 : memref<400x64xf32, #tpu.memory_space<vmem>>) target_semaphore(%arg18 : memref<!tpu.dma_semaphore, #tpu.memory_space<semaphore_mem>>)
    %dma_wait3A_462 = arith.constant 0 : i32
    %dma_wait3A_463 = arith.constant 0 : i32
    %dma_wait3A_464 = tpu.memref_slice %arg11[%dma_wait3A_462, %dma_wait3A_463] : memref<800x64xf32, #tpu.memory_space<vmem_shared>> -> memref<400x64xf32, #tpu.memory_space<vmem_shared>>
    %dma_wait3A_465 = arith.constant 0 : i32
    %dma_wait3A_466 = arith.constant 0 : i32
    %dma_wait3A_467 = tpu.memref_slice %arg11[%dma_wait3A_465, %dma_wait3A_466] : memref<800x64xf32, #tpu.memory_space<vmem_shared>> -> memref<400x64xf32, #tpu.memory_space<vmem_shared>>
    tpu.wait_dma2 semaphore(%arg17 : memref<!tpu.dma_semaphore, #tpu.memory_space<semaphore_mem>>) src(%dma_wait3A_467 : memref<400x64xf32, #tpu.memory_space<vmem_shared>>) dst(%arg8 : memref<400x64xf32, #tpu.memory_space<vmem>>)
    %dma_start3A_468 = arith.constant 13 : i32
    %dma_start3A_469 = arith.constant 0 : i32
    %dma_start3A_470 = tpu.memref_slice %arg6[%dma_start3A_468, %dma_start3A_469] : memref<16x400xi32, #tpu.memory_space<vmem>> -> memref<1x400xi32, #tpu.memory_space<vmem>>
    %dma_start3A_471 = tpu.memref_squeeze %dma_start3A_470 : memref<1x400xi32, #tpu.memory_space<vmem>> -> memref<400xi32, #tpu.memory_space<vmem>>
    %dma_start3A_472 = arith.constant 0 : i32
    %dma_start3A_473 = arith.constant 0 : i32
    %dma_start3A_474 = tpu.memref_slice %arg3[%dma_start3A_472, %dma_start3A_473] : memref<1000000x64xf32, #tpu.memory_space<hbm>> -> memref<1000000x64xf32, #tpu.memory_space<hbm>>
    tpu.enqueue_indirect_dma source(%dma_start3A_474 : memref<1000000x64xf32, #tpu.memory_space<hbm>>) target(%arg8 : memref<400x64xf32, #tpu.memory_space<vmem>>) offsets(%dma_start3A_471 : memref<400xi32, #tpu.memory_space<vmem>>) semaphore(%arg13 : memref<!tpu.dma_semaphore, #tpu.memory_space<semaphore_mem>>) {add = true}
    %dma_wait3A_475 = arith.constant 12 : i32
    %dma_wait3A_476 = arith.constant 0 : i32
    %dma_wait3A_477 = tpu.memref_slice %arg6[%dma_wait3A_475, %dma_wait3A_476] : memref<16x400xi32, #tpu.memory_space<vmem>> -> memref<1x400xi32, #tpu.memory_space<vmem>>
    %dma_wait3A_478 = tpu.memref_squeeze %dma_wait3A_477 : memref<1x400xi32, #tpu.memory_space<vmem>> -> memref<400xi32, #tpu.memory_space<vmem>>
    %dma_wait3A_479 = arith.constant 0 : i32
    %dma_wait3A_480 = arith.constant 0 : i32
    %dma_wait3A_481 = tpu.memref_slice %arg3[%dma_wait3A_479, %dma_wait3A_480] : memref<1000000x64xf32, #tpu.memory_space<hbm>> -> memref<1000000x64xf32, #tpu.memory_space<hbm>>
    tpu.wait_indirect_dma semaphore(%arg12 : memref<!tpu.dma_semaphore, #tpu.memory_space<semaphore_mem>>) src(%dma_wait3A_481 : memref<1000000x64xf32, #tpu.memory_space<hbm>>) dst(%arg7 : memref<400x64xf32, #tpu.memory_space<vmem>>)
    %add3A_482 = arith.constant 4800 : i32
    %add3A_483 = arith.addi %mul3A_2, %add3A_482 : i32
    %dma_start3A_484 = arith.constant 0 : i32
    %dma_start3A_485 = tpu.memref_slice %arg5[%add3A_483, %dma_start3A_484] : memref<204800x128xf32, #tpu.memory_space<hbm>> -> memref<400x64xf32, #tpu.memory_space<hbm>>
    %dma_start3A_486 = arith.constant 0 : i32
    %dma_start3A_487 = tpu.memref_slice %arg5[%add3A_483, %dma_start3A_486] : memref<204800x128xf32, #tpu.memory_space<hbm>> -> memref<400x64xf32, #tpu.memory_space<hbm>>
    tpu.enqueue_dma source(%arg7 : memref<400x64xf32, #tpu.memory_space<vmem>>) target(%dma_start3A_487 : memref<400x64xf32, #tpu.memory_space<hbm>>) target_semaphore(%arg20 : memref<!tpu.dma_semaphore, #tpu.memory_space<semaphore_mem>>)
    %dma_wait3A_488 = arith.constant 0 : i32
    %dma_wait3A_489 = tpu.memref_slice %arg5[%add3A_447, %dma_wait3A_488] : memref<204800x128xf32, #tpu.memory_space<hbm>> -> memref<400x64xf32, #tpu.memory_space<hbm>>
    %dma_wait3A_490 = arith.constant 0 : i32
    %dma_wait3A_491 = tpu.memref_slice %arg5[%add3A_447, %dma_wait3A_490] : memref<204800x128xf32, #tpu.memory_space<hbm>> -> memref<400x64xf32, #tpu.memory_space<hbm>>
    tpu.wait_dma2 semaphore(%arg20 : memref<!tpu.dma_semaphore, #tpu.memory_space<semaphore_mem>>) src(%arg10 : memref<400x64xf32, #tpu.memory_space<vmem>>) dst(%dma_wait3A_491 : memref<400x64xf32, #tpu.memory_space<hbm>>)
    %dma_start3A_492 = arith.constant 0 : i32
    %dma_start3A_493 = arith.constant 0 : i32
    %dma_start3A_494 = tpu.memref_slice %arg11[%dma_start3A_492, %dma_start3A_493] : memref<800x64xf32, #tpu.memory_space<vmem_shared>> -> memref<400x64xf32, #tpu.memory_space<vmem_shared>>
    %dma_start3A_495 = arith.constant 0 : i32
    %dma_start3A_496 = arith.constant 0 : i32
    %dma_start3A_497 = tpu.memref_slice %arg11[%dma_start3A_495, %dma_start3A_496] : memref<800x64xf32, #tpu.memory_space<vmem_shared>> -> memref<400x64xf32, #tpu.memory_space<vmem_shared>>
    tpu.enqueue_dma source(%dma_start3A_497 : memref<400x64xf32, #tpu.memory_space<vmem_shared>>) target(%arg10 : memref<400x64xf32, #tpu.memory_space<vmem>>) target_semaphore(%arg19 : memref<!tpu.dma_semaphore, #tpu.memory_space<semaphore_mem>>)
    %dma_wait3A_498 = arith.constant 0 : i32
    %dma_wait3A_499 = arith.constant 0 : i32
    %dma_wait3A_500 = tpu.memref_slice %arg11[%dma_wait3A_498, %dma_wait3A_499] : memref<800x64xf32, #tpu.memory_space<vmem_shared>> -> memref<400x64xf32, #tpu.memory_space<vmem_shared>>
    %dma_wait3A_501 = arith.constant 0 : i32
    %dma_wait3A_502 = arith.constant 0 : i32
    %dma_wait3A_503 = tpu.memref_slice %arg11[%dma_wait3A_501, %dma_wait3A_502] : memref<800x64xf32, #tpu.memory_space<vmem_shared>> -> memref<400x64xf32, #tpu.memory_space<vmem_shared>>
    tpu.wait_dma2 semaphore(%arg18 : memref<!tpu.dma_semaphore, #tpu.memory_space<semaphore_mem>>) src(%dma_wait3A_503 : memref<400x64xf32, #tpu.memory_space<vmem_shared>>) dst(%arg9 : memref<400x64xf32, #tpu.memory_space<vmem>>)
    %dma_start3A_504 = arith.constant 14 : i32
    %dma_start3A_505 = arith.constant 0 : i32
    %dma_start3A_506 = tpu.memref_slice %arg6[%dma_start3A_504, %dma_start3A_505] : memref<16x400xi32, #tpu.memory_space<vmem>> -> memref<1x400xi32, #tpu.memory_space<vmem>>
    %dma_start3A_507 = tpu.memref_squeeze %dma_start3A_506 : memref<1x400xi32, #tpu.memory_space<vmem>> -> memref<400xi32, #tpu.memory_space<vmem>>
    %dma_start3A_508 = arith.constant 0 : i32
    %dma_start3A_509 = arith.constant 0 : i32
    %dma_start3A_510 = tpu.memref_slice %arg3[%dma_start3A_508, %dma_start3A_509] : memref<1000000x64xf32, #tpu.memory_space<hbm>> -> memref<1000000x64xf32, #tpu.memory_space<hbm>>
    tpu.enqueue_indirect_dma source(%dma_start3A_510 : memref<1000000x64xf32, #tpu.memory_space<hbm>>) target(%arg9 : memref<400x64xf32, #tpu.memory_space<vmem>>) offsets(%dma_start3A_507 : memref<400xi32, #tpu.memory_space<vmem>>) semaphore(%arg14 : memref<!tpu.dma_semaphore, #tpu.memory_space<semaphore_mem>>) {add = true}
    %dma_wait3A_511 = arith.constant 13 : i32
    %dma_wait3A_512 = arith.constant 0 : i32
    %dma_wait3A_513 = tpu.memref_slice %arg6[%dma_wait3A_511, %dma_wait3A_512] : memref<16x400xi32, #tpu.memory_space<vmem>> -> memref<1x400xi32, #tpu.memory_space<vmem>>
    %dma_wait3A_514 = tpu.memref_squeeze %dma_wait3A_513 : memref<1x400xi32, #tpu.memory_space<vmem>> -> memref<400xi32, #tpu.memory_space<vmem>>
    %dma_wait3A_515 = arith.constant 0 : i32
    %dma_wait3A_516 = arith.constant 0 : i32
    %dma_wait3A_517 = tpu.memref_slice %arg3[%dma_wait3A_515, %dma_wait3A_516] : memref<1000000x64xf32, #tpu.memory_space<hbm>> -> memref<1000000x64xf32, #tpu.memory_space<hbm>>
    tpu.wait_indirect_dma semaphore(%arg13 : memref<!tpu.dma_semaphore, #tpu.memory_space<semaphore_mem>>) src(%dma_wait3A_517 : memref<1000000x64xf32, #tpu.memory_space<hbm>>) dst(%arg8 : memref<400x64xf32, #tpu.memory_space<vmem>>)
    %add3A_518 = arith.constant 5200 : i32
    %add3A_519 = arith.addi %mul3A_2, %add3A_518 : i32
    %dma_start3A_520 = arith.constant 0 : i32
    %dma_start3A_521 = tpu.memref_slice %arg5[%add3A_519, %dma_start3A_520] : memref<204800x128xf32, #tpu.memory_space<hbm>> -> memref<400x64xf32, #tpu.memory_space<hbm>>
    %dma_start3A_522 = arith.constant 0 : i32
    %dma_start3A_523 = tpu.memref_slice %arg5[%add3A_519, %dma_start3A_522] : memref<204800x128xf32, #tpu.memory_space<hbm>> -> memref<400x64xf32, #tpu.memory_space<hbm>>
    tpu.enqueue_dma source(%arg8 : memref<400x64xf32, #tpu.memory_space<vmem>>) target(%dma_start3A_523 : memref<400x64xf32, #tpu.memory_space<hbm>>) target_semaphore(%arg20 : memref<!tpu.dma_semaphore, #tpu.memory_space<semaphore_mem>>)
    %dma_wait3A_524 = arith.constant 0 : i32
    %dma_wait3A_525 = arith.constant 0 : i32
    %dma_wait3A_526 = tpu.memref_slice %arg11[%dma_wait3A_524, %dma_wait3A_525] : memref<800x64xf32, #tpu.memory_space<vmem_shared>> -> memref<400x64xf32, #tpu.memory_space<vmem_shared>>
    %dma_wait3A_527 = arith.constant 0 : i32
    %dma_wait3A_528 = arith.constant 0 : i32
    %dma_wait3A_529 = tpu.memref_slice %arg11[%dma_wait3A_527, %dma_wait3A_528] : memref<800x64xf32, #tpu.memory_space<vmem_shared>> -> memref<400x64xf32, #tpu.memory_space<vmem_shared>>
    tpu.wait_dma2 semaphore(%arg19 : memref<!tpu.dma_semaphore, #tpu.memory_space<semaphore_mem>>) src(%dma_wait3A_529 : memref<400x64xf32, #tpu.memory_space<vmem_shared>>) dst(%arg10 : memref<400x64xf32, #tpu.memory_space<vmem>>)
    %dma_start3A_530 = arith.constant 15 : i32
    %dma_start3A_531 = arith.constant 0 : i32
    %dma_start3A_532 = tpu.memref_slice %arg6[%dma_start3A_530, %dma_start3A_531] : memref<16x400xi32, #tpu.memory_space<vmem>> -> memref<1x400xi32, #tpu.memory_space<vmem>>
    %dma_start3A_533 = tpu.memref_squeeze %dma_start3A_532 : memref<1x400xi32, #tpu.memory_space<vmem>> -> memref<400xi32, #tpu.memory_space<vmem>>
    %dma_start3A_534 = arith.constant 0 : i32
    %dma_start3A_535 = arith.constant 0 : i32
    %dma_start3A_536 = tpu.memref_slice %arg3[%dma_start3A_534, %dma_start3A_535] : memref<1000000x64xf32, #tpu.memory_space<hbm>> -> memref<1000000x64xf32, #tpu.memory_space<hbm>>
    tpu.enqueue_indirect_dma source(%dma_start3A_536 : memref<1000000x64xf32, #tpu.memory_space<hbm>>) target(%arg10 : memref<400x64xf32, #tpu.memory_space<vmem>>) offsets(%dma_start3A_533 : memref<400xi32, #tpu.memory_space<vmem>>) semaphore(%arg15 : memref<!tpu.dma_semaphore, #tpu.memory_space<semaphore_mem>>) {add = true}
    %dma_wait3A_537 = arith.constant 14 : i32
    %dma_wait3A_538 = arith.constant 0 : i32
    %dma_wait3A_539 = tpu.memref_slice %arg6[%dma_wait3A_537, %dma_wait3A_538] : memref<16x400xi32, #tpu.memory_space<vmem>> -> memref<1x400xi32, #tpu.memory_space<vmem>>
    %dma_wait3A_540 = tpu.memref_squeeze %dma_wait3A_539 : memref<1x400xi32, #tpu.memory_space<vmem>> -> memref<400xi32, #tpu.memory_space<vmem>>
    %dma_wait3A_541 = arith.constant 0 : i32
    %dma_wait3A_542 = arith.constant 0 : i32
    %dma_wait3A_543 = tpu.memref_slice %arg3[%dma_wait3A_541, %dma_wait3A_542] : memref<1000000x64xf32, #tpu.memory_space<hbm>> -> memref<1000000x64xf32, #tpu.memory_space<hbm>>
    tpu.wait_indirect_dma semaphore(%arg14 : memref<!tpu.dma_semaphore, #tpu.memory_space<semaphore_mem>>) src(%dma_wait3A_543 : memref<1000000x64xf32, #tpu.memory_space<hbm>>) dst(%arg9 : memref<400x64xf32, #tpu.memory_space<vmem>>)
    %add3A_544 = arith.constant 5600 : i32
    %add3A_545 = arith.addi %mul3A_2, %add3A_544 : i32
    %dma_start3A_546 = arith.constant 0 : i32
    %dma_start3A_547 = tpu.memref_slice %arg5[%add3A_545, %dma_start3A_546] : memref<204800x128xf32, #tpu.memory_space<hbm>> -> memref<400x64xf32, #tpu.memory_space<hbm>>
    %dma_start3A_548 = arith.constant 0 : i32
    %dma_start3A_549 = tpu.memref_slice %arg5[%add3A_545, %dma_start3A_548] : memref<204800x128xf32, #tpu.memory_space<hbm>> -> memref<400x64xf32, #tpu.memory_space<hbm>>
    tpu.enqueue_dma source(%arg9 : memref<400x64xf32, #tpu.memory_space<vmem>>) target(%dma_start3A_549 : memref<400x64xf32, #tpu.memory_space<hbm>>) target_semaphore(%arg20 : memref<!tpu.dma_semaphore, #tpu.memory_space<semaphore_mem>>)
    %dma_wait3A_550 = arith.constant 15 : i32
    %dma_wait3A_551 = arith.constant 0 : i32
    %dma_wait3A_552 = tpu.memref_slice %arg6[%dma_wait3A_550, %dma_wait3A_551] : memref<16x400xi32, #tpu.memory_space<vmem>> -> memref<1x400xi32, #tpu.memory_space<vmem>>
    %dma_wait3A_553 = tpu.memref_squeeze %dma_wait3A_552 : memref<1x400xi32, #tpu.memory_space<vmem>> -> memref<400xi32, #tpu.memory_space<vmem>>
    %dma_wait3A_554 = arith.constant 0 : i32
    %dma_wait3A_555 = arith.constant 0 : i32
    %dma_wait3A_556 = tpu.memref_slice %arg3[%dma_wait3A_554, %dma_wait3A_555] : memref<1000000x64xf32, #tpu.memory_space<hbm>> -> memref<1000000x64xf32, #tpu.memory_space<hbm>>
    tpu.wait_indirect_dma semaphore(%arg15 : memref<!tpu.dma_semaphore, #tpu.memory_space<semaphore_mem>>) src(%dma_wait3A_556 : memref<1000000x64xf32, #tpu.memory_space<hbm>>) dst(%arg10 : memref<400x64xf32, #tpu.memory_space<vmem>>)
    %add3A_557 = arith.constant 6000 : i32
    %add3A_558 = arith.addi %mul3A_2, %add3A_557 : i32
    %dma_start3A_559 = arith.constant 0 : i32
    %dma_start3A_560 = tpu.memref_slice %arg5[%add3A_558, %dma_start3A_559] : memref<204800x128xf32, #tpu.memory_space<hbm>> -> memref<400x64xf32, #tpu.memory_space<hbm>>
    %dma_start3A_561 = arith.constant 0 : i32
    %dma_start3A_562 = tpu.memref_slice %arg5[%add3A_558, %dma_start3A_561] : memref<204800x128xf32, #tpu.memory_space<hbm>> -> memref<400x64xf32, #tpu.memory_space<hbm>>
    tpu.enqueue_dma source(%arg10 : memref<400x64xf32, #tpu.memory_space<vmem>>) target(%dma_start3A_562 : memref<400x64xf32, #tpu.memory_space<hbm>>) target_semaphore(%arg20 : memref<!tpu.dma_semaphore, #tpu.memory_space<semaphore_mem>>)
    %dma_wait3A_563 = arith.constant 0 : i32
    %dma_wait3A_564 = tpu.memref_slice %arg5[%add3A_483, %dma_wait3A_563] : memref<204800x128xf32, #tpu.memory_space<hbm>> -> memref<400x64xf32, #tpu.memory_space<hbm>>
    %dma_wait3A_565 = arith.constant 0 : i32
    %dma_wait3A_566 = tpu.memref_slice %arg5[%add3A_483, %dma_wait3A_565] : memref<204800x128xf32, #tpu.memory_space<hbm>> -> memref<400x64xf32, #tpu.memory_space<hbm>>
    tpu.wait_dma2 semaphore(%arg20 : memref<!tpu.dma_semaphore, #tpu.memory_space<semaphore_mem>>) src(%arg7 : memref<400x64xf32, #tpu.memory_space<vmem>>) dst(%dma_wait3A_566 : memref<400x64xf32, #tpu.memory_space<hbm>>)
    %dma_wait3A_567 = arith.constant 0 : i32
    %dma_wait3A_568 = tpu.memref_slice %arg5[%add3A_519, %dma_wait3A_567] : memref<204800x128xf32, #tpu.memory_space<hbm>> -> memref<400x64xf32, #tpu.memory_space<hbm>>
    %dma_wait3A_569 = arith.constant 0 : i32
    %dma_wait3A_570 = tpu.memref_slice %arg5[%add3A_519, %dma_wait3A_569] : memref<204800x128xf32, #tpu.memory_space<hbm>> -> memref<400x64xf32, #tpu.memory_space<hbm>>
    tpu.wait_dma2 semaphore(%arg20 : memref<!tpu.dma_semaphore, #tpu.memory_space<semaphore_mem>>) src(%arg8 : memref<400x64xf32, #tpu.memory_space<vmem>>) dst(%dma_wait3A_570 : memref<400x64xf32, #tpu.memory_space<hbm>>)
    %dma_wait3A_571 = arith.constant 0 : i32
    %dma_wait3A_572 = tpu.memref_slice %arg5[%add3A_545, %dma_wait3A_571] : memref<204800x128xf32, #tpu.memory_space<hbm>> -> memref<400x64xf32, #tpu.memory_space<hbm>>
    %dma_wait3A_573 = arith.constant 0 : i32
    %dma_wait3A_574 = tpu.memref_slice %arg5[%add3A_545, %dma_wait3A_573] : memref<204800x128xf32, #tpu.memory_space<hbm>> -> memref<400x64xf32, #tpu.memory_space<hbm>>
    tpu.wait_dma2 semaphore(%arg20 : memref<!tpu.dma_semaphore, #tpu.memory_space<semaphore_mem>>) src(%arg9 : memref<400x64xf32, #tpu.memory_space<vmem>>) dst(%dma_wait3A_574 : memref<400x64xf32, #tpu.memory_space<hbm>>)
    %dma_wait3A_575 = arith.constant 0 : i32
    %dma_wait3A_576 = tpu.memref_slice %arg5[%add3A_558, %dma_wait3A_575] : memref<204800x128xf32, #tpu.memory_space<hbm>> -> memref<400x64xf32, #tpu.memory_space<hbm>>
    %dma_wait3A_577 = arith.constant 0 : i32
    %dma_wait3A_578 = tpu.memref_slice %arg5[%add3A_558, %dma_wait3A_577] : memref<204800x128xf32, #tpu.memory_space<hbm>> -> memref<400x64xf32, #tpu.memory_space<hbm>>
    tpu.wait_dma2 semaphore(%arg20 : memref<!tpu.dma_semaphore, #tpu.memory_space<semaphore_mem>>) src(%arg10 : memref<400x64xf32, #tpu.memory_space<vmem>>) dst(%dma_wait3A_578 : memref<400x64xf32, #tpu.memory_space<hbm>>)
    return
  }
}

</mosaic_0001>

<sc_bundles>
// kernel: kernel.3.cloned.1.call-start
scs
__scs_entry_jumppad:
0x0: {  	(pc) =	sbr.rel $0x88, $3  }
0x1: {  	(tag) =	ssettag $0x0;
	lr =	simm.s32 $0x1  }
0x2: {  	[smem:$0x3F9F] =	sst lr;
	_ =	strace $0xD0000000  }
0x3: {  	_ = 	snop  }
0x4: {  	_ = 	snop  }
0x5: {  	_ = 	snop  }
0x6: {  	_ = 	snop  }
0x7: {  	_ = 	snop  }
__scs_overlays_trampoline_lowered:
0x8: {  	[smem:$0x3FAE] =	sst s0  }
0x9: {  	[smem:$0x3FAF] =	sst s1  }
0xa: {  	[smem:$0x3FB0] =	sst s2  }
0xb: {  	[smem:$0x3FB1] =	sst s3  }
0xc: {  	[smem:$0x3FB2] =	sst s4  }
0xd: {  	[smem:$0x3FB3] =	sst s5  }
0xe: {  	[smem:$0x3FB4] =	sst s6  }
0xf: {  	[smem:$0x3FB5] =	sst s7  }
0x10: {  	[smem:$0x3FB6] =	sst s8  }
0x11: {  	[smem:$0x3FB7] =	sst s9;
	s0 =	simm.s32 @!p0 $0x0  }
0x12: {  	s1 =	sld [smem:$0x3F9D];
	s0 =	simm.s32 @p0 $0x1  }
0x13: {  	[smem:$0x3FB8] =	sst s0;
	s0 =	simm.s32 @!p1 $0x0  }
0x14: {  	s2 =	sld [smem:$0x3F9C];
	s0 =	simm.s32 @p1 $0x1  }
0x15: {  	[smem:$0x3FB9] =	sst s0;
	s0 =	simm.s32 @!p2 $0x0  }
0x16: {  	s3 =	sld [smem:$0x3FDB];
	s0 =	simm.s32 @p2 $0x1  }
0x17: {  	s4 =	simm.s32 $0x1BF5;
	[smem:$0x3FBB] =	sst s0  }
0x18: {  	s0 =	sld [smem:$0x3F9E];
	_ =	swait.ge [sflag:s4], $0x0  }
0x19: {  	s7 =	sld [smem:$0x3F9F]  }
0x1a: {  	s8 =	sadd.s32 $0xFFFFE003, lr  }
0x1b: {  	s9 =	sadd.s32 $0xFFFFFEF7, lr;
	s5 =	simm.s32 $0xFFFFFFFF;
	p2 =	slt.u32 s8, $0xFFFFF086  }
0x1c: {  	p1 =	slt.u32 s9, $0xF7A;
	s5 =	simm.s32 @!p2 $0x0  }
0x1d: {  	s5 =	simm.s32 @p1 $0x1;
	p0 =	seq.s32 s7, s2  }
0x1e: {  	s7 =	smul.u32 @!p0 $0xF7A, s2;
	p2 =	seq.s32 @!p0 s5, $0x0  }
0x1f: {  	s9 =	smul.u32 $0xF7A, s1;
	s8 =	simm.s32 @!p0 $0x1BF5;
	p2 =	por !p2, p0  }
0x20: {  	[sflag:s8] =	ssyncset.s32 @!p0 $0xFFFFF086;
	s6 =	sadd.s32 @!p0 s3, s7;
	s7 =	simm.s32 @!p0 $0x108  }
0x21: {  	s3 =	sadd.s32 s3, s9;
	s6 =	sadd.s32 @!p0 $0x88, s6;
	s7 =	simm.s32 @p2 $0x1082  }
0x22: {  	[simem:s7], [sflag:s8] =	dma.local @!p0 [hbm:s6], $0xF7A  }
0x23: {  	s9 =	sor.u32 $0xD0000000, s2;
	s6 =	simm.s32 $0x108;
	_ =	swait.ge @!p0 [sflag:s8], $0x0  }
0x24: {  	s3 =	sadd.s32 $0x88, s3;
	s6 =	simm.s32 @!p1 $0x1082;
	[sflag:s4] =	ssyncset.s32 $0xFFFFF086  }
0x25: {  	[simem:s6], [sflag:s4] =	dma.local [hbm:s3], $0xF7A  }
0x26: {  	[smem:$0x3F9F] =	sst s1;
	(tag) =	ssettag s2;
	_ =	strace s9  }
0x27: {  	s1 =	sld [smem:$0x3FAF]  }
0x28: {  	s2 =	sld [smem:$0x3FB0]  }
0x29: {  	s4 =	sld [smem:$0x3FB2]  }
0x2a: {  	p0 =	seq.s32 s5, $0x0;
	s5 =	sld [smem:$0x3FB3]  }
0x2b: {  	s6 =	sld [smem:$0x3FB4]  }
0x2c: {  	s7 =	sld [smem:$0x3FB5]  }
0x2d: {  	s3 =	simm.s32 $0x108;
	s8 =	sld [smem:$0x3FB6]  }
0x2e: {  	s3 =	simm.s32 @!p0 $0x1082;
	s9 =	sld [smem:$0x3FB7]  }
0x2f: {  	lr =	sadd.s32 s0, s3;
	s0 =	sld [smem:$0x3FAE]  }
0x30: {  	s3 =	sld [smem:$0x3FB1]  }
0x31: {  	[smem:$0x3FBA] =	sst s10  }
0x32: {  	s10 =	sld [smem:$0x3FB8];
	_ =	sdelay $0x3  }
0x33: {  	p0 =	seq.s32 s10, $0x1;
	s10 =	sld [smem:$0x3FBA];
	_ =	sdelay $0x3  }
0x34: {  	[smem:$0x3FBA] =	sst s10  }
0x35: {  	s10 =	sld [smem:$0x3FB9];
	_ =	sdelay $0x3  }
0x36: {  	p1 =	seq.s32 s10, $0x1;
	s10 =	sld [smem:$0x3FBA];
	_ =	sdelay $0x3  }
0x37: {  	[smem:$0x3FBA] =	sst s10  }
0x38: {  	s10 =	sld [smem:$0x3FBB]  }
0x39: {  	_ = 	snop;
	(pc) =	sbr.ind lr, $3  }
0x3a: {  	_ = 	snop  }
0x3b: {  	_ = 	snop  }
0x3c: {  	p2 =	seq.s32 s10, $0x1;
	s10 =	sld [smem:$0x3FBA]  }
0x3d: {  	_ =	shalt  }
0x3e: {  	_ =	shalt  }
0x3f: {  	_ =	shalt  }
0x40: {  	_ =	shalt  }
0x41: {  	_ =	shalt  }
0x42: {  	_ =	shalt  }
0x43: {  	_ =	shalt  }
0x44: {  	_ =	shalt  }
0x45: {  	_ =	shalt  }
0x46: {  	_ =	shalt  }
0x47: {  	_ =	shalt  }
0x48: {  	_ =	shalt  }
0x49: {  	_ =	shalt  }
0x4a: {  	_ =	shalt  }
0x4b: {  	_ =	shalt  }
0x4c: {  	_ =	shalt  }
0x4d: {  	_ =	shalt  }
0x4e: {  	_ =	shalt  }
0x4f: {  	_ =	shalt  }
0x50: {  	_ =	shalt  }
0x51: {  	_ =	shalt  }
0x52: {  	_ =	shalt  }
0x53: {  	_ =	shalt  }
0x54: {  	_ =	shalt  }
0x55: {  	_ =	shalt  }
0x56: {  	_ =	shalt  }
0x57: {  	_ =	shalt  }
0x58: {  	_ =	shalt  }
0x59: {  	_ =	shalt  }
0x5a: {  	_ =	shalt  }
0x5b: {  	_ =	shalt  }
0x5c: {  	_ =	shalt  }
0x5d: {  	_ =	shalt  }
0x5e: {  	_ =	shalt  }
0x5f: {  	_ =	shalt  }
0x60: {  	_ =	shalt  }
0x61: {  	_ =	shalt  }
0x62: {  	_ =	shalt  }
0x63: {  	_ =	shalt  }
0x64: {  	_ =	shalt  }
0x65: {  	_ =	shalt  }
0x66: {  	_ =	shalt  }
0x67: {  	_ =	shalt  }
0x68: {  	_ =	shalt  }
0x69: {  	_ =	shalt  }
0x6a: {  	_ =	shalt  }
0x6b: {  	_ =	shalt  }
0x6c: {  	_ =	shalt  }
0x6d: {  	_ =	shalt  }
0x6e: {  	_ =	shalt  }
0x6f: {  	_ =	shalt  }
0x70: {  	_ =	shalt  }
0x71: {  	_ =	shalt  }
0x72: {  	_ =	shalt  }
0x73: {  	_ =	shalt  }
0x74: {  	_ =	shalt  }
0x75: {  	_ =	shalt  }
0x76: {  	_ =	shalt  }
0x77: {  	_ =	shalt  }
0x78: {  	_ =	shalt  }
0x79: {  	_ =	shalt  }
0x7a: {  	_ =	shalt  }
0x7b: {  	_ =	shalt  }
0x7c: {  	_ =	shalt  }
0x7d: {  	_ =	shalt  }
0x7e: {  	_ =	shalt  }
0x7f: {  	_ =	shalt  }
0x80: {  	_ =	shalt  }
0x81: {  	_ =	shalt  }
0x82: {  	_ =	shalt  }
0x83: {  	_ =	shalt  }
0x84: {  	_ =	shalt  }
0x85: {  	_ =	shalt  }
0x86: {  	_ =	shalt  }
0x87: {  	_ =	shalt  }
.Lfunc_end0:
.L_simem_size_0:
called_computation.1_lowered:
.L_overlay_start_0:
0x88: {  	s2 =	sld [smem:$0x3FD9]  }
0x89: {  	s3 =	sld [smem:$0x3FFE];
	_ =	sdelay $0x1  }
0x8a: {  	s1 =	srdreg.scid  }
0x8b: {  	s0 =	sand.u32 $0x1, s1  }
0x8c: {  	s17 =	sshll.u32 s0, $0xA;
	s2 =	sadd.s32 s3, s2  }
0x8d: {  	s2 =	sadd.s32 s2, s17  }
0x8e: {  	[smem:$0x3FC6] =	sst s2  }
0x8f: {  	_ = 	snop  }
0x90: {  	s2 =	sld [smem:$0x3FD0];
	(tm) =	ssettm $0x1  }
0x91: {  	s18 =	sld [smem:$0x3FFB];
	_ =	sdelay $0x3  }
0x92: {  	_ =	strace s18  }
0x93: {  	s3 =	sld [smem:$0x3FFC];
	_ =	sdelay $0x3  }
0x94: {  	_ =	strace s3  }
0x95: {  	s3 =	sld [smem:$0x3FFD];
	_ =	sdelay $0x3  }
0x96: {  	_ =	strace s3  }
0x97: {  	_ =	strace $0x8FFFFFFF  }
0x98: {  	s19 =	sld [smem:$0x3FDB];
	_ =	sdelay $0x1  }
0x99: {  	s4 =	simm.s32 $_scs_section_size  }
0x9a: {  	s5 =	simm.s32 $_size__tile_overlayer_lowered;
	s6 =	simm.s32 $_tile_overlayer_lowered  }
0x9b: {  	s22 =	simm.s32 $0x1BFF;
	s21 =	sshll.u32 s6, $0x1;
	s3 =	sadd.s32 s4, s19  }
0x9c: {  	s7 =	simm.s32 $0x0;
	s20 =	sshll.u32 s5, $0x1;
	s5 =	sadd.s32 s21, s3  }
0x9d: {  	[timem:s7], [sflag:s22] =	dma.local [hbm:s5], s20  }
0x9e: {  	_ =	swait.ge [sflag:s22], s20  }
0x9f: {  	s4 =	ssub.s32 $0x0, s20;
	[sflag:s22] =	ssyncset.done $0x0  }
0xa0: {  	[sflag:s22] =	ssyncadd.s32 s4;
	_ =	sdelay $0x1  }
0xa1: {  	s23 =	simm.s32 $0x1B8B  }
0xa2: {  	_ =	swait.ge [sflag:s23], $0x1  }
0xa3: {  	[sflag:s23] =	ssyncset.done $0x0  }
0xa4: {  	s25 =	simm.s32 $0x1B8E;
	s24 =	sld [smem:$0x3FFE];
	[sflag:s23] =	ssyncadd.s32 $0xFFFFFFFF  }
0xa5: {  	s26 =	simm.s32 $execute0_lowered;
	[smem:$0x3FD2] =	sst s25  }
0xa6: {  	s5 =	sshll.u32 s26, $0x1;
	_ =	strace $0x80000046;
	[dreg:$0x1] =	wrdreg $0xFFFFFFFF  }
0xa7: {  	s28 =	simm.s32 $_size_execute0_lowered;
	s3 =	sadd.s32 s3, s5;
	[dreg:$0x0] =	wrdreg $0x0  }
0xa8: {  	s5 =	sshll.u32 s28, $0x1;
	[dreg:$0x2] =	wrdreg s3  }
0xa9: {  	[dreg:$0x3] =	wrdreg s5  }
0xaa: {  	[dreg:$0x4] =	wrdreg $0xC0  }
0xab: {  	_ =	task [dreg:s7], $0x5FFFF  }
0xac: {  	[dreg:$0x1] =	wrdreg $0xFFFFFFFF  }
0xad: {  	[dreg:$0x0] =	wrdreg $0x60  }
0xae: {  	[dreg:$0x2] =	wrdreg s2  }
0xaf: {  	[dreg:$0x3] =	wrdreg s24  }
0xb0: {  	[dreg:$0x4] =	wrdreg $0x1A9000  }
0xb1: {  	[dreg:$0x5] =	wrdreg $0x9  }
0xb2: {  	_ =	task.clear_ibuf [dreg:s7], $0x6FFFF;
	_ =	strace $0x90000046  }
0xb3: {  	s29 =	simm.s32 $0x9;
	_ =	strace $0x80000048  }
0xb4: {  	_ =	swait.ge [sflag:s29], $0x1  }
0xb5: {  	[sflag:s29] =	ssyncadd.s32 $0xFFFFFFFF  }
0xb6: {  	_ =	strace $0x90000048  }
0xb7: {  	_ =	sfence  }
0xb8: {  	s30 =	sld [smem:$0x0];
	_ =	sdelay $0x2  }
0xb9: {  	s31 =	sshll.u32 s1, $0xD;
	s1 =	sshrl.u32 s1, $0x2  }
0xba: {  	s3 =	sand.u32 $0x4000, s31;
	s1 =	sadd.s32 s1, s30  }
0xbb: {  	s0 =	sor.u32 s3, s0;
	s1 =	sshll.u32 s1, $0x11  }
0xbc: {  	s0 =	sor.u32 s1, s0  }
0xbd: {  	s0 =	sadd.s32 $0x8F2B, s0  }
0xbe: {  	[sflag:s0] =	ssyncadd.remote.s32 $0x1  }
0xbf: {  	_ =	sfence.sel $0xFFFF  }
0xc0: {  	[dreg:$0x0] =	wrdreg $0xFFFFFFFF;
	(pc) =	sbr.abs _section_cstart, $3  }
0xc1: {  	[dreg:$0x1] =	wrdreg $0xFFFFFFFF  }
0xc2: {  	_ =	task.clear_ibuf [dreg:s7], $0x2FFFF;
	_ =	strace $0x9FFFFFFF  }
0xc3: {  	(tm) =	ssettm $0x7FFFFFFF  }
tec
execute0_lowered:
.L_overlay_start_1:
0x0: {  	(tag) =	ssettag $0x1  }
0x1: {  	s0 =	rddreg [dreg:$0x0]  }
0x2: {  	s3 =	srdreg.scid;
	s4 =	stileid.u32  }
0x3: {  	s2 =	rddreg [dreg:$0x1];
	s3 =	sand.u32 $0x1, s3;
	s5 =	sshll.u32 s4, $0x1  }
0x4: {  	s1 =	rddreg [dreg:$0x2];
	s5 =	sor.u32 s3, s5  }
0x5: {  	s30 =	rddreg [dreg:$0x3];
	s26 =	simm.s32 $0x0;
	s6 =	smul.u32 $0x320, s5  }
0x6: {  	[smem:$0x7FF] =	sst s26;
	s8 =	smul.u32 $0xC8000, s5  }
0x7: {  	s7 =	sadd.s32 $0xC00, s2;
	s20 =	sadd.s32 $0x2600, s2;
	s5 =	smul.u32 $0x19000, s5  }
0x8: {  	_ =	strace $0x80000047;
	[dreg:$0x4] =	wrdreg s7;
	s0 =	sadd.s32 s0, s6  }
0x9: {  	p0 =	sne.s32 s4, $0x0;
	s22 =	sadd.s32 s20, s5;
	[dreg:$0x5] =	wrdreg s0  }
0xa: {  	s21 =	sshrl.u32 s8, $0x3;
	[dreg:$0x6] =	wrdreg s22;
	s0 =	sshrl.u32 @!p0 s1, $0x3  }
0xb: {  	s23 =	sadd.s32 s20, s21;
	s20 =	simm.s32 $0x320;
	[dreg:$0x16] =	wrdreg s0  }
0xc: {  	s21 =	simm.s32 $0x4B0;
	[dreg:$0x17] =	wrdreg s20  }
0xd: {  	s28 =	simm.s32 $0xA;
	s22 =	simm.s32 $0x640;
	[dreg:$0x18] =	wrdreg s21  }
0xe: {  	p1 =	por $0x0, $0x0;
	s24 =	sadd.s32 $0x1900, s23;
	[dreg:$0x19] =	wrdreg s22  }
0xf: {  	s4 =	simm.s32 $0x40;
	s25 =	sadd.s32 $0x3200, s23;
	[dreg:$0x7] =	wrdreg s24  }
0x10: {  	s3 =	ssub.s32 $0x2, s3;
	s29 =	sadd.s32 $0x4B00, s23;
	[dreg:$0x8] =	wrdreg s25  }
0x11: {  	s16 =	sshrl.u32 s3, $0x1;
	s6 =	sadd.s32 $0x6400, s23;
	[dreg:$0x9] =	wrdreg s29  }
0x12: {  	s19 =	ssub.s32 s3, s16;
	s7 =	sadd.s32 $0x7D00, s23;
	[dreg:$0xa] =	wrdreg s6  }
0x13: {  	s3 =	sadd.s32 $0xF43000, s2;
	s8 =	sadd.s32 $0x9600, s23;
	[dreg:$0xb] =	wrdreg s7  }
0x14: {  	s16 =	simm.s32 $0x1;
	s9 =	sadd.s32 $0xAF00, s23;
	[dreg:$0xc] =	wrdreg s8  }
0x15: {  	s2 =	simm.s32 $0x9;
	s10 =	sadd.s32 $0xC800, s23;
	[dreg:$0xd] =	wrdreg s9  }
0x16: {  	s19 =	smax.u32 s19, $0x1;
	s11 =	sadd.s32 $0xE100, s23;
	[dreg:$0xe] =	wrdreg s10  }
0x17: {  	s5 =	simm.s32 $0x80;
	s12 =	sadd.s32 $0xFA00, s23;
	[dreg:$0xf] =	wrdreg s11  }
0x18: {  	s31 =	sadd.s32 $0xFFFFFFFF, s19;
	s13 =	sadd.s32 $0x11300, s23;
	[dreg:$0x10] =	wrdreg s12  }
0x19: {  	s19 =	simm.s32 $0x1770;
	s14 =	sadd.s32 $0x12C00, s23;
	[dreg:$0x11] =	wrdreg s13  }
0x1a: {  	s15 =	sadd.s32 $0x14500, s23;
	s17 =	sadd.s32 $0x15E00, s23;
	[dreg:$0x12] =	wrdreg s14  }
0x1b: {  	s18 =	sadd.s32 $0x17700, s23;
	s23 =	simm.s32 $0x7D0;
	[dreg:$0x13] =	wrdreg s15  }
0x1c: {  	s22 =	simm.s32 $0x12C0;
	p2 =	sne.s32 s31, $0x0;
	[dreg:$0x14] =	wrdreg s17  }
0x1d: {  	s21 =	simm.s32 $0x1450;
	s20 =	simm.s32 $0x15E0;
	[dreg:$0x15] =	wrdreg s18  }
0x1e: {  	s10 =	simm.s32 $0x1900;
	s9 =	simm.s32 $0x7D00;
	s18 =	simm.s32 $0x5  }
0x1f: {  	s8 =	simm.s32 $0x190;
	s6 =	simm.s32 $0xE100;
	s17 =	simm.s32 $0x6  }
0x20: {  	s7 =	simm.s32 $0x14500;
	s14 =	simm.s32 $0x7;
	s12 =	simm.s32 $0x2  }
.Ltmp0:
0x21: {  	s15 =	simm.s32 $0x8;
	[dreg:$0x1a] =	wrdreg s23;
	(pc) =	sbr.rel @!p2 .LBB2_1-.Ltmp0, $4  }
0x22: {  	s24 =	simm.s32 $0x960;
	s13 =	simm.s32 $0x3;
	s0 =	rddreg [dreg:$0x16]  }
0x23: {  	s25 =	simm.s32 $0xAF0;
	s11 =	simm.s32 $0x4;
	[dreg:$0x1b] =	wrdreg s24  }
0x24: {  	s29 =	simm.s32 $0xC80;
	s23 =	simm.s32 $0x1130;
	[dreg:$0x1c] =	wrdreg s25  }
0x25: {  	[dreg:$0x1d] =	wrdreg s29;
	s25 =	simm.s32 $0xE10;
	s24 =	simm.s32 $0xFA0  }
0x26: {  	s30 =	rddreg [dreg:$0x4];
	s29 =	simm.s32 @!p0 $0x1C0A  }
0x27: {  	[spmem:s0], [sflag:s29] =	dma.local @!p0 [hbm:s30], $0x1900  }
0x28: {  	s30 =	simm.s32 @!p0 $0xA  }
0x29: {  	_ =	swait.ge @!p0 [sflag:s30], $0x1900  }
0x2a: {  	[sflag:s30] =	ssyncset.done @!p0 $0x0  }
0x2b: {  	[sflag:s30] =	ssyncadd.s32 @!p0 $0xFFFFE700  }
0x2c: {  	[bflag:$0x0] =	sbarrier.arrive $0xFFFF  }
0x2d: {  	s0 =	rddreg [dreg:$0x5]  }
0x2e: {  	[tilespmem:s26], [sflag:$0xA] =	stream.linear.gather [hbm4b:s0+s26], $0x1900, $0x38;
	[tilespmem:$0x1B580] =	vst v63  }
0x2f: {  	_ =	swait.ge [sflag:s28], $0x1900  }
0x30: {  	[sflag:s28] =	ssyncset.done $0x0  }
0x31: {  	[sflag:s28] =	ssyncadd.s32 $0xFFFFE700  }
0x32: {  	[tilespmem:s10], [sflag:$0x5] =	stream.linear.gather [spmem:s1], $0x6400, $0x38;
	[tilespmem:$0x1B580] =	vst v63  }
0x33: {  	_ = 	snop  }
0x34: {  	[tilespmem:s9], [sflag:$0x6] =	stream.linear.gather [spmem:s1], $0x6400, $0x38;
	[tilespmem:$0x1B580] =	vst v63  }
0x35: {  	_ =	swait.ge [sflag:s18], $0x6400  }
0x36: {  	[sflag:s18] =	ssyncset.done $0x0  }
0x37: {  	[sflag:s18] =	ssyncadd.s32 $0xFFFF9C00  }
0x38: {  	[tilespmem:s10], [sflag:$0x1] =	stream.indirect.gather.add.f32 [hbm:s3], $0x40, s26, s8, $0xb8;
	[tilespmem:$0x1B580] =	vst v63  }
0x39: {  	_ = 	snop  }
0x3a: {  	[tilespmem:s6], [sflag:$0x7] =	stream.linear.gather [spmem:s1], $0x6400, $0x38;
	[tilespmem:$0x1B580] =	vst v63  }
0x3b: {  	_ =	swait.ge [sflag:s17], $0x6400  }
0x3c: {  	[sflag:s17] =	ssyncset.done $0x0  }
0x3d: {  	[sflag:s17] =	ssyncadd.s32 $0xFFFF9C00  }
0x3e: {  	[tilespmem:s9], [sflag:$0x2] =	stream.indirect.gather.add.f32 [hbm:s3], $0x40, s8, s8, $0xb8;
	[tilespmem:$0x1B580] =	vst v63  }
0x3f: {  	_ =	swait.ge [sflag:s16], $0x6400  }
0x40: {  	[sflag:s16] =	ssyncset.done $0x0  }
0x41: {  	s0 =	rddreg [dreg:$0x6];
	[sflag:s16] =	ssyncadd.s32 $0xFFFF9C00  }
0x42: {  	[hbm4b:s0+s4] =	stream.strided.scatter [tilespmem:s10], [sflag:$0x9], $0x6400, s5, s4, $0x38;
	[tilespmem:$0x1B580] =	vst v63  }
0x43: {  	_ = 	snop  }
0x44: {  	[tilespmem:s7], [sflag:$0x8] =	stream.linear.gather [spmem:s1], $0x6400, $0x38;
	[tilespmem:$0x1B580] =	vst v63  }
0x45: {  	_ =	swait.ge [sflag:s14], $0x6400  }
0x46: {  	[sflag:s14] =	ssyncset.done $0x0  }
0x47: {  	s0 =	rddreg [dreg:$0x17];
	[sflag:s14] =	ssyncadd.s32 $0xFFFF9C00  }
0x48: {  	[tilespmem:s6], [sflag:$0x3] =	stream.indirect.gather.add.f32 [hbm:s3], $0x40, s0, s8, $0xb8;
	[tilespmem:$0x1B580] =	vst v63  }
0x49: {  	_ =	swait.ge [sflag:s12], $0x6400  }
0x4a: {  	[sflag:s12] =	ssyncset.done $0x0  }
0x4b: {  	s0 =	rddreg [dreg:$0x7];
	[sflag:s12] =	ssyncadd.s32 $0xFFFF9C00  }
0x4c: {  	[hbm4b:s0+s4] =	stream.strided.scatter [tilespmem:s9], [sflag:$0x9], $0x6400, s5, s4, $0x38;
	[tilespmem:$0x1B580] =	vst v63  }
0x4d: {  	_ =	swait.ge [sflag:s2], $0x6400  }
0x4e: {  	[sflag:s2] =	ssyncset.done $0x0  }
0x4f: {  	[sflag:s2] =	ssyncadd.s32 $0xFFFF9C00  }
0x50: {  	[tilespmem:s10], [sflag:$0x5] =	stream.linear.gather [spmem:s1], $0x6400, $0x38;
	[tilespmem:$0x1B580] =	vst v63  }
0x51: {  	_ =	swait.ge [sflag:s15], $0x6400  }
0x52: {  	[sflag:s15] =	ssyncset.done $0x0  }
0x53: {  	s0 =	rddreg [dreg:$0x18];
	[sflag:s15] =	ssyncadd.s32 $0xFFFF9C00  }
0x54: {  	[tilespmem:s7], [sflag:$0x4] =	stream.indirect.gather.add.f32 [hbm:s3], $0x40, s0, s8, $0xb8;
	[tilespmem:$0x1B580] =	vst v63  }
0x55: {  	_ =	swait.ge [sflag:s13], $0x6400  }
0x56: {  	[sflag:s13] =	ssyncset.done $0x0  }
0x57: {  	s0 =	rddreg [dreg:$0x8];
	[sflag:s13] =	ssyncadd.s32 $0xFFFF9C00  }
0x58: {  	[hbm4b:s0+s4] =	stream.strided.scatter [tilespmem:s6], [sflag:$0x9], $0x6400, s5, s4, $0x38;
	[tilespmem:$0x1B580] =	vst v63  }
0x59: {  	_ =	swait.ge [sflag:s2], $0x6400  }
0x5a: {  	[sflag:s2] =	ssyncset.done $0x0  }
0x5b: {  	[sflag:s2] =	ssyncadd.s32 $0xFFFF9C00  }
0x5c: {  	[tilespmem:s9], [sflag:$0x6] =	stream.linear.gather [spmem:s1], $0x6400, $0x38;
	[tilespmem:$0x1B580] =	vst v63  }
0x5d: {  	_ =	swait.ge [sflag:s18], $0x6400  }
0x5e: {  	[sflag:s18] =	ssyncset.done $0x0  }
0x5f: {  	s0 =	rddreg [dreg:$0x19];
	[sflag:s18] =	ssyncadd.s32 $0xFFFF9C00  }
0x60: {  	[tilespmem:s10], [sflag:$0x1] =	stream.indirect.gather.add.f32 [hbm:s3], $0x40, s0, s8, $0xb8;
	[tilespmem:$0x1B580] =	vst v63  }
0x61: {  	_ =	swait.ge [sflag:s11], $0x6400  }
0x62: {  	[sflag:s11] =	ssyncset.done $0x0  }
0x63: {  	s0 =	rddreg [dreg:$0x9];
	[sflag:s11] =	ssyncadd.s32 $0xFFFF9C00  }
0x64: {  	[hbm4b:s0+s4] =	stream.strided.scatter [tilespmem:s7], [sflag:$0x9], $0x6400, s5, s4, $0x38;
	[tilespmem:$0x1B580] =	vst v63  }
0x65: {  	_ =	swait.ge [sflag:s2], $0x6400  }
0x66: {  	[sflag:s2] =	ssyncset.done $0x0  }
0x67: {  	[sflag:s2] =	ssyncadd.s32 $0xFFFF9C00  }
0x68: {  	[tilespmem:s6], [sflag:$0x7] =	stream.linear.gather [spmem:s1], $0x6400, $0x38;
	[tilespmem:$0x1B580] =	vst v63  }
0x69: {  	_ =	swait.ge [sflag:s17], $0x6400  }
0x6a: {  	[sflag:s17] =	ssyncset.done $0x0  }
0x6b: {  	s0 =	rddreg [dreg:$0x1a];
	[sflag:s17] =	ssyncadd.s32 $0xFFFF9C00  }
0x6c: {  	[tilespmem:s9], [sflag:$0x2] =	stream.indirect.gather.add.f32 [hbm:s3], $0x40, s0, s8, $0xb8;
	[tilespmem:$0x1B580] =	vst v63  }
0x6d: {  	_ =	swait.ge [sflag:s16], $0x6400  }
0x6e: {  	[sflag:s16] =	ssyncset.done $0x0  }
0x6f: {  	s0 =	rddreg [dreg:$0xa];
	[sflag:s16] =	ssyncadd.s32 $0xFFFF9C00  }
0x70: {  	[hbm4b:s0+s4] =	stream.strided.scatter [tilespmem:s10], [sflag:$0x9], $0x6400, s5, s4, $0x38;
	[tilespmem:$0x1B580] =	vst v63  }
0x71: {  	_ =	swait.ge [sflag:s2], $0x6400  }
0x72: {  	[sflag:s2] =	ssyncset.done $0x0  }
0x73: {  	[sflag:s2] =	ssyncadd.s32 $0xFFFF9C00  }
0x74: {  	[tilespmem:s7], [sflag:$0x8] =	stream.linear.gather [spmem:s1], $0x6400, $0x38;
	[tilespmem:$0x1B580] =	vst v63  }
0x75: {  	_ =	swait.ge [sflag:s14], $0x6400  }
0x76: {  	[sflag:s14] =	ssyncset.done $0x0  }
0x77: {  	s0 =	rddreg [dreg:$0x1b];
	[sflag:s14] =	ssyncadd.s32 $0xFFFF9C00  }
0x78: {  	[tilespmem:s6], [sflag:$0x3] =	stream.indirect.gather.add.f32 [hbm:s3], $0x40, s0, s8, $0xb8;
	[tilespmem:$0x1B580] =	vst v63  }
0x79: {  	_ =	swait.ge [sflag:s12], $0x6400  }
0x7a: {  	[sflag:s12] =	ssyncset.done $0x0  }
0x7b: {  	s0 =	rddreg [dreg:$0xb];
	[sflag:s12] =	ssyncadd.s32 $0xFFFF9C00  }
0x7c: {  	[hbm4b:s0+s4] =	stream.strided.scatter [tilespmem:s9], [sflag:$0x9], $0x6400, s5, s4, $0x38;
	[tilespmem:$0x1B580] =	vst v63  }
0x7d: {  	_ =	swait.ge [sflag:s2], $0x6400  }
0x7e: {  	[sflag:s2] =	ssyncset.done $0x0  }
0x7f: {  	[sflag:s2] =	ssyncadd.s32 $0xFFFF9C00  }
0x80: {  	[tilespmem:s10], [sflag:$0x5] =	stream.linear.gather [spmem:s1], $0x6400, $0x38;
	[tilespmem:$0x1B580] =	vst v63  }
0x81: {  	_ =	swait.ge [sflag:s15], $0x6400  }
0x82: {  	[sflag:s15] =	ssyncset.done $0x0  }
0x83: {  	s0 =	rddreg [dreg:$0x1c];
	[sflag:s15] =	ssyncadd.s32 $0xFFFF9C00  }
0x84: {  	[tilespmem:s7], [sflag:$0x4] =	stream.indirect.gather.add.f32 [hbm:s3], $0x40, s0, s8, $0xb8;
	[tilespmem:$0x1B580] =	vst v63  }
0x85: {  	_ =	swait.ge [sflag:s13], $0x6400  }
0x86: {  	[sflag:s13] =	ssyncset.done $0x0  }
0x87: {  	s0 =	rddreg [dreg:$0xc];
	[sflag:s13] =	ssyncadd.s32 $0xFFFF9C00  }
0x88: {  	[hbm4b:s0+s4] =	stream.strided.scatter [tilespmem:s6], [sflag:$0x9], $0x6400, s5, s4, $0x38;
	[tilespmem:$0x1B580] =	vst v63  }
0x89: {  	_ =	swait.ge [sflag:s2], $0x6400  }
0x8a: {  	[sflag:s2] =	ssyncset.done $0x0  }
0x8b: {  	[sflag:s2] =	ssyncadd.s32 $0xFFFF9C00  }
0x8c: {  	[tilespmem:s9], [sflag:$0x6] =	stream.linear.gather [spmem:s1], $0x6400, $0x38;
	[tilespmem:$0x1B580] =	vst v63  }
0x8d: {  	_ =	swait.ge [sflag:s18], $0x6400  }
0x8e: {  	[sflag:s18] =	ssyncset.done $0x0  }
0x8f: {  	s0 =	rddreg [dreg:$0x1d];
	[sflag:s18] =	ssyncadd.s32 $0xFFFF9C00  }
0x90: {  	[tilespmem:s10], [sflag:$0x1] =	stream.indirect.gather.add.f32 [hbm:s3], $0x40, s0, s8, $0xb8;
	[tilespmem:$0x1B580] =	vst v63  }
0x91: {  	_ =	swait.ge [sflag:s11], $0x6400  }
0x92: {  	[sflag:s11] =	ssyncset.done $0x0  }
0x93: {  	s0 =	rddreg [dreg:$0xd];
	[sflag:s11] =	ssyncadd.s32 $0xFFFF9C00  }
0x94: {  	[hbm4b:s0+s4] =	stream.strided.scatter [tilespmem:s7], [sflag:$0x9], $0x6400, s5, s4, $0x38;
	[tilespmem:$0x1B580] =	vst v63  }
0x95: {  	_ =	swait.ge [sflag:s2], $0x6400  }
0x96: {  	[sflag:s2] =	ssyncset.done $0x0  }
0x97: {  	[sflag:s2] =	ssyncadd.s32 $0xFFFF9C00  }
0x98: {  	[tilespmem:s6], [sflag:$0x7] =	stream.linear.gather [spmem:s1], $0x6400, $0x38;
	[tilespmem:$0x1B580] =	vst v63  }
0x99: {  	_ =	swait.ge [sflag:s17], $0x6400  }
0x9a: {  	[sflag:s17] =	ssyncset.done $0x0  }
0x9b: {  	[sflag:s17] =	ssyncadd.s32 $0xFFFF9C00  }
0x9c: {  	[tilespmem:s9], [sflag:$0x2] =	stream.indirect.gather.add.f32 [hbm:s3], $0x40, s25, s8, $0xb8;
	[tilespmem:$0x1B580] =	vst v63  }
0x9d: {  	_ =	swait.ge [sflag:s16], $0x6400  }
0x9e: {  	[sflag:s16] =	ssyncset.done $0x0  }
0x9f: {  	s0 =	rddreg [dreg:$0xe];
	[sflag:s16] =	ssyncadd.s32 $0xFFFF9C00  }
0xa0: {  	[hbm4b:s0+s4] =	stream.strided.scatter [tilespmem:s10], [sflag:$0x9], $0x6400, s5, s4, $0x38;
	[tilespmem:$0x1B580] =	vst v63  }
0xa1: {  	_ =	swait.ge [sflag:s2], $0x6400  }
0xa2: {  	[sflag:s2] =	ssyncset.done $0x0  }
0xa3: {  	[sflag:s2] =	ssyncadd.s32 $0xFFFF9C00  }
0xa4: {  	[tilespmem:s7], [sflag:$0x8] =	stream.linear.gather [spmem:s1], $0x6400, $0x38;
	[tilespmem:$0x1B580] =	vst v63  }
0xa5: {  	_ =	swait.ge [sflag:s14], $0x6400  }
0xa6: {  	[sflag:s14] =	ssyncset.done $0x0  }
0xa7: {  	[sflag:s14] =	ssyncadd.s32 $0xFFFF9C00  }
0xa8: {  	[tilespmem:s6], [sflag:$0x3] =	stream.indirect.gather.add.f32 [hbm:s3], $0x40, s24, s8, $0xb8;
	[tilespmem:$0x1B580] =	vst v63  }
0xa9: {  	_ =	swait.ge [sflag:s12], $0x6400  }
0xaa: {  	[sflag:s12] =	ssyncset.done $0x0  }
0xab: {  	s0 =	rddreg [dreg:$0xf];
	[sflag:s12] =	ssyncadd.s32 $0xFFFF9C00  }
0xac: {  	[hbm4b:s0+s4] =	stream.strided.scatter [tilespmem:s9], [sflag:$0x9], $0x6400, s5, s4, $0x38;
	[tilespmem:$0x1B580] =	vst v63  }
0xad: {  	_ =	swait.ge [sflag:s2], $0x6400  }
0xae: {  	[sflag:s2] =	ssyncset.done $0x0  }
0xaf: {  	[sflag:s2] =	ssyncadd.s32 $0xFFFF9C00  }
0xb0: {  	[tilespmem:s10], [sflag:$0x5] =	stream.linear.gather [spmem:s1], $0x6400, $0x38;
	[tilespmem:$0x1B580] =	vst v63  }
0xb1: {  	_ =	swait.ge [sflag:s15], $0x6400  }
0xb2: {  	[sflag:s15] =	ssyncset.done $0x0  }
0xb3: {  	[sflag:s15] =	ssyncadd.s32 $0xFFFF9C00  }
0xb4: {  	[tilespmem:s7], [sflag:$0x4] =	stream.indirect.gather.add.f32 [hbm:s3], $0x40, s23, s8, $0xb8;
	[tilespmem:$0x1B580] =	vst v63  }
0xb5: {  	_ =	swait.ge [sflag:s13], $0x6400  }
0xb6: {  	[sflag:s13] =	ssyncset.done $0x0  }
0xb7: {  	s0 =	rddreg [dreg:$0x10];
	[sflag:s13] =	ssyncadd.s32 $0xFFFF9C00  }
0xb8: {  	[hbm4b:s0+s4] =	stream.strided.scatter [tilespmem:s6], [sflag:$0x9], $0x6400, s5, s4, $0x38;
	[tilespmem:$0x1B580] =	vst v63  }
0xb9: {  	_ =	swait.ge [sflag:s2], $0x6400  }
0xba: {  	[sflag:s2] =	ssyncset.done $0x0  }
0xbb: {  	[sflag:s2] =	ssyncadd.s32 $0xFFFF9C00  }
0xbc: {  	[tilespmem:s9], [sflag:$0x6] =	stream.linear.gather [spmem:s1], $0x6400, $0x38;
	[tilespmem:$0x1B580] =	vst v63  }
0xbd: {  	_ =	swait.ge [sflag:s18], $0x6400  }
0xbe: {  	[sflag:s18] =	ssyncset.done $0x0  }
0xbf: {  	[sflag:s18] =	ssyncadd.s32 $0xFFFF9C00  }
0xc0: {  	[tilespmem:s10], [sflag:$0x1] =	stream.indirect.gather.add.f32 [hbm:s3], $0x40, s22, s8, $0xb8;
	[tilespmem:$0x1B580] =	vst v63  }
0xc1: {  	_ =	swait.ge [sflag:s11], $0x6400  }
0xc2: {  	[sflag:s11] =	ssyncset.done $0x0  }
0xc3: {  	s0 =	rddreg [dreg:$0x11];
	[sflag:s11] =	ssyncadd.s32 $0xFFFF9C00  }
0xc4: {  	[hbm4b:s0+s4] =	stream.strided.scatter [tilespmem:s7], [sflag:$0x9], $0x6400, s5, s4, $0x38;
	[tilespmem:$0x1B580] =	vst v63  }
0xc5: {  	_ =	swait.ge [sflag:s2], $0x6400  }
0xc6: {  	[sflag:s2] =	ssyncset.done $0x0  }
0xc7: {  	[sflag:s2] =	ssyncadd.s32 $0xFFFF9C00  }
0xc8: {  	[tilespmem:s6], [sflag:$0x7] =	stream.linear.gather [spmem:s1], $0x6400, $0x38;
	[tilespmem:$0x1B580] =	vst v63  }
0xc9: {  	_ =	swait.ge [sflag:s17], $0x6400  }
0xca: {  	[sflag:s17] =	ssyncset.done $0x0  }
0xcb: {  	[sflag:s17] =	ssyncadd.s32 $0xFFFF9C00  }
0xcc: {  	[tilespmem:s9], [sflag:$0x2] =	stream.indirect.gather.add.f32 [hbm:s3], $0x40, s21, s8, $0xb8;
	[tilespmem:$0x1B580] =	vst v63  }
0xcd: {  	_ =	swait.ge [sflag:s16], $0x6400  }
0xce: {  	[sflag:s16] =	ssyncset.done $0x0  }
0xcf: {  	s0 =	rddreg [dreg:$0x12];
	[sflag:s16] =	ssyncadd.s32 $0xFFFF9C00  }
0xd0: {  	[hbm4b:s0+s4] =	stream.strided.scatter [tilespmem:s10], [sflag:$0x9], $0x6400, s5, s4, $0x38;
	[tilespmem:$0x1B580] =	vst v63  }
0xd1: {  	_ =	swait.ge [sflag:s2], $0x6400  }
0xd2: {  	[sflag:s2] =	ssyncset.done $0x0  }
0xd3: {  	[sflag:s2] =	ssyncadd.s32 $0xFFFF9C00  }
0xd4: {  	[tilespmem:s7], [sflag:$0x8] =	stream.linear.gather [spmem:s1], $0x6400, $0x38;
	[tilespmem:$0x1B580] =	vst v63  }
0xd5: {  	_ =	swait.ge [sflag:s14], $0x6400  }
0xd6: {  	[sflag:s14] =	ssyncset.done $0x0  }
0xd7: {  	[sflag:s14] =	ssyncadd.s32 $0xFFFF9C00  }
0xd8: {  	[tilespmem:s6], [sflag:$0x3] =	stream.indirect.gather.add.f32 [hbm:s3], $0x40, s20, s8, $0xb8;
	[tilespmem:$0x1B580] =	vst v63  }
0xd9: {  	_ =	swait.ge [sflag:s12], $0x6400  }
0xda: {  	[sflag:s12] =	ssyncset.done $0x0  }
0xdb: {  	s0 =	rddreg [dreg:$0x13];
	[sflag:s12] =	ssyncadd.s32 $0xFFFF9C00  }
0xdc: {  	[hbm4b:s0+s4] =	stream.strided.scatter [tilespmem:s9], [sflag:$0x9], $0x6400, s5, s4, $0x38;
	[tilespmem:$0x1B580] =	vst v63  }
0xdd: {  	_ =	swait.ge [sflag:s15], $0x6400  }
0xde: {  	[sflag:s15] =	ssyncset.done $0x0  }
0xdf: {  	[sflag:s15] =	ssyncadd.s32 $0xFFFF9C00  }
0xe0: {  	[tilespmem:s7], [sflag:$0x4] =	stream.indirect.gather.add.f32 [hbm:s3], $0x40, s19, s8, $0xb8;
	[tilespmem:$0x1B580] =	vst v63  }
0xe1: {  	_ =	swait.ge [sflag:s13], $0x6400  }
0xe2: {  	[sflag:s13] =	ssyncset.done $0x0  }
0xe3: {  	s19 =	rddreg [dreg:$0x14];
	[sflag:s13] =	ssyncadd.s32 $0xFFFF9C00  }
0xe4: {  	[hbm4b:s19+s4] =	stream.strided.scatter [tilespmem:s6], [sflag:$0x9], $0x6400, s5, s4, $0x38;
	[tilespmem:$0x1B580] =	vst v63  }
0xe5: {  	_ =	swait.ge [sflag:s11], $0x6400  }
0xe6: {  	[sflag:s11] =	ssyncset.done $0x0  }
0xe7: {  	s19 =	rddreg [dreg:$0x15];
	[sflag:s11] =	ssyncadd.s32 $0xFFFF9C00  }
0xe8: {  	[hbm4b:s19+s4] =	stream.strided.scatter [tilespmem:s7], [sflag:$0x9], $0x6400, s5, s4, $0x38;
	[tilespmem:$0x1B580] =	vst v63  }
0xe9: {  	_ =	swait.ge [sflag:s2], $0x6400  }
0xea: {  	[sflag:s2] =	ssyncset.done $0x0  }
0xeb: {  	[sflag:s2] =	ssyncadd.s32 $0xFFFF9C00  }
0xec: {  	_ =	swait.ge [sflag:s2], $0x6400  }
0xed: {  	s31 =	sadd.s32 $0xFFFFFFFF, s31;
	[sflag:s2] =	ssyncset.done $0x0  }
0xee: {  	p2 =	sne.s32 s31, $0x0;
	[sflag:s2] =	ssyncadd.s32 $0xFFFF9C00  }
.Ltmp1:
0xef: {  	_ =	swait.ge [sflag:s2], $0x6400;
	(pc) =	sbr.rel @!p2 .LBB2_3-.Ltmp1, $4  }
0xf0: {  	[sflag:s2] =	ssyncset.done $0x0  }
0xf1: {  	[sflag:s2] =	ssyncadd.s32 $0xFFFF9C00  }
0xf2: {  	_ =	swait.ge [sflag:s2], $0x6400  }
0xf3: {  	p1 =	por $0x1, $0x1;
	s0 =	rddreg [dreg:$0x16];
	[sflag:s2] =	ssyncset.done $0x0  }
.LBB2_4:
0xf4: {  	s19 =	rddreg [dreg:$0x4];
	[sflag:s2] =	ssyncadd.s32 $0xFFFF9C00  }
0xf5: {  	[spmem:s0], [sflag:s29] =	dma.local @!p0 [hbm:s19], $0x1900  }
0xf6: {  	_ =	swait.ge @!p0 [sflag:s30], $0x1900  }
0xf7: {  	[sflag:s30] =	ssyncset.done @!p0 $0x0  }
0xf8: {  	[sflag:s30] =	ssyncadd.s32 @!p0 $0xFFFFE700  }
0xf9: {  	[bflag:$0x0] =	sbarrier.arrive $0xFFFF  }
0xfa: {  	s0 =	rddreg [dreg:$0x5]  }
0xfb: {  	[tilespmem:s26], [sflag:$0xA] =	stream.linear.gather [hbm4b:s0+s26], $0x1900, $0x38;
	[tilespmem:$0x1B580] =	vst v63  }
0xfc: {  	_ =	swait.ge [sflag:s28], $0x1900  }
0xfd: {  	[sflag:s28] =	ssyncset.done $0x0  }
0xfe: {  	[sflag:s28] =	ssyncadd.s32 $0xFFFFE700  }
0xff: {  	[tilespmem:s10], [sflag:$0x5] =	stream.linear.gather [spmem:s1], $0x6400, $0x38;
	[tilespmem:$0x1B580] =	vst v63  }
0x100: {  	_ = 	snop  }
0x101: {  	[tilespmem:s9], [sflag:$0x6] =	stream.linear.gather [spmem:s1], $0x6400, $0x38;
	[tilespmem:$0x1B580] =	vst v63  }
0x102: {  	_ =	swait.ge [sflag:s18], $0x6400  }
0x103: {  	[sflag:s18] =	ssyncset.done $0x0  }
0x104: {  	[sflag:s18] =	ssyncadd.s32 $0xFFFF9C00  }
0x105: {  	[tilespmem:s10], [sflag:$0x1] =	stream.indirect.gather.add.f32 [hbm:s3], $0x40, s26, s8, $0xb8;
	[tilespmem:$0x1B580] =	vst v63  }
0x106: {  	_ = 	snop  }
0x107: {  	[tilespmem:s6], [sflag:$0x7] =	stream.linear.gather [spmem:s1], $0x6400, $0x38;
	[tilespmem:$0x1B580] =	vst v63  }
0x108: {  	_ =	swait.ge [sflag:s17], $0x6400  }
0x109: {  	[sflag:s17] =	ssyncset.done $0x0  }
0x10a: {  	[sflag:s17] =	ssyncadd.s32 $0xFFFF9C00  }
0x10b: {  	[tilespmem:s9], [sflag:$0x2] =	stream.indirect.gather.add.f32 [hbm:s3], $0x40, s8, s8, $0xb8;
	[tilespmem:$0x1B580] =	vst v63  }
0x10c: {  	_ =	swait.ge [sflag:s16], $0x6400  }
0x10d: {  	[sflag:s16] =	ssyncset.done $0x0  }
0x10e: {  	s0 =	rddreg [dreg:$0x6];
	[sflag:s16] =	ssyncadd.s32 $0xFFFF9C00  }
0x10f: {  	[hbm4b:s0+s4] =	stream.strided.scatter [tilespmem:s10], [sflag:$0x9], $0x6400, s5, s4, $0x38;
	[tilespmem:$0x1B580] =	vst v63  }
0x110: {  	_ = 	snop  }
0x111: {  	[tilespmem:s7], [sflag:$0x8] =	stream.linear.gather [spmem:s1], $0x6400, $0x38;
	[tilespmem:$0x1B580] =	vst v63  }
0x112: {  	_ =	swait.ge [sflag:s14], $0x6400  }
0x113: {  	[sflag:s14] =	ssyncset.done $0x0  }
0x114: {  	s0 =	rddreg [dreg:$0x17];
	[sflag:s14] =	ssyncadd.s32 $0xFFFF9C00  }
0x115: {  	[tilespmem:s6], [sflag:$0x3] =	stream.indirect.gather.add.f32 [hbm:s3], $0x40, s0, s8, $0xb8;
	[tilespmem:$0x1B580] =	vst v63  }
0x116: {  	_ =	swait.ge [sflag:s12], $0x6400  }
0x117: {  	[sflag:s12] =	ssyncset.done $0x0  }
0x118: {  	s0 =	rddreg [dreg:$0x7];
	[sflag:s12] =	ssyncadd.s32 $0xFFFF9C00  }
0x119: {  	[hbm4b:s0+s4] =	stream.strided.scatter [tilespmem:s9], [sflag:$0x9], $0x6400, s5, s4, $0x38;
	[tilespmem:$0x1B580] =	vst v63  }
0x11a: {  	_ =	swait.ge [sflag:s2], $0x6400  }
0x11b: {  	[sflag:s2] =	ssyncset.done $0x0  }
0x11c: {  	[sflag:s2] =	ssyncadd.s32 $0xFFFF9C00  }
0x11d: {  	[tilespmem:s10], [sflag:$0x5] =	stream.linear.gather [spmem:s1], $0x6400, $0x38;
	[tilespmem:$0x1B580] =	vst v63  }
0x11e: {  	_ =	swait.ge [sflag:s15], $0x6400  }
0x11f: {  	[sflag:s15] =	ssyncset.done $0x0  }
0x120: {  	s0 =	rddreg [dreg:$0x18];
	[sflag:s15] =	ssyncadd.s32 $0xFFFF9C00  }
0x121: {  	[tilespmem:s7], [sflag:$0x4] =	stream.indirect.gather.add.f32 [hbm:s3], $0x40, s0, s8, $0xb8;
	[tilespmem:$0x1B580] =	vst v63  }
0x122: {  	_ =	swait.ge [sflag:s13], $0x6400  }
0x123: {  	[sflag:s13] =	ssyncset.done $0x0  }
0x124: {  	s0 =	rddreg [dreg:$0x8];
	[sflag:s13] =	ssyncadd.s32 $0xFFFF9C00  }
0x125: {  	[hbm4b:s0+s4] =	stream.strided.scatter [tilespmem:s6], [sflag:$0x9], $0x6400, s5, s4, $0x38;
	[tilespmem:$0x1B580] =	vst v63  }
0x126: {  	_ =	swait.ge [sflag:s2], $0x6400  }
0x127: {  	[sflag:s2] =	ssyncset.done $0x0  }
0x128: {  	[sflag:s2] =	ssyncadd.s32 $0xFFFF9C00  }
0x129: {  	[tilespmem:s9], [sflag:$0x6] =	stream.linear.gather [spmem:s1], $0x6400, $0x38;
	[tilespmem:$0x1B580] =	vst v63  }
0x12a: {  	_ =	swait.ge [sflag:s18], $0x6400  }
0x12b: {  	[sflag:s18] =	ssyncset.done $0x0  }
0x12c: {  	s0 =	rddreg [dreg:$0x19];
	[sflag:s18] =	ssyncadd.s32 $0xFFFF9C00  }
0x12d: {  	[tilespmem:s10], [sflag:$0x1] =	stream.indirect.gather.add.f32 [hbm:s3], $0x40, s0, s8, $0xb8;
	[tilespmem:$0x1B580] =	vst v63  }
0x12e: {  	_ =	swait.ge [sflag:s11], $0x6400  }
0x12f: {  	[sflag:s11] =	ssyncset.done $0x0  }
0x130: {  	s0 =	rddreg [dreg:$0x9];
	[sflag:s11] =	ssyncadd.s32 $0xFFFF9C00  }
0x131: {  	[hbm4b:s0+s4] =	stream.strided.scatter [tilespmem:s7], [sflag:$0x9], $0x6400, s5, s4, $0x38;
	[tilespmem:$0x1B580] =	vst v63  }
0x132: {  	_ =	swait.ge [sflag:s2], $0x6400  }
0x133: {  	[sflag:s2] =	ssyncset.done $0x0  }
0x134: {  	[sflag:s2] =	ssyncadd.s32 $0xFFFF9C00  }
0x135: {  	[tilespmem:s6], [sflag:$0x7] =	stream.linear.gather [spmem:s1], $0x6400, $0x38;
	[tilespmem:$0x1B580] =	vst v63  }
0x136: {  	_ =	swait.ge [sflag:s17], $0x6400  }
0x137: {  	[sflag:s17] =	ssyncset.done $0x0  }
0x138: {  	s0 =	rddreg [dreg:$0x1a];
	[sflag:s17] =	ssyncadd.s32 $0xFFFF9C00  }
0x139: {  	[tilespmem:s9], [sflag:$0x2] =	stream.indirect.gather.add.f32 [hbm:s3], $0x40, s0, s8, $0xb8;
	[tilespmem:$0x1B580] =	vst v63  }
0x13a: {  	_ =	swait.ge [sflag:s16], $0x6400  }
0x13b: {  	[sflag:s16] =	ssyncset.done $0x0  }
0x13c: {  	s0 =	rddreg [dreg:$0xa];
	[sflag:s16] =	ssyncadd.s32 $0xFFFF9C00  }
0x13d: {  	[hbm4b:s0+s4] =	stream.strided.scatter [tilespmem:s10], [sflag:$0x9], $0x6400, s5, s4, $0x38;
	[tilespmem:$0x1B580] =	vst v63  }
0x13e: {  	_ =	swait.ge [sflag:s2], $0x6400  }
0x13f: {  	[sflag:s2] =	ssyncset.done $0x0  }
0x140: {  	[sflag:s2] =	ssyncadd.s32 $0xFFFF9C00  }
0x141: {  	[tilespmem:s7], [sflag:$0x8] =	stream.linear.gather [spmem:s1], $0x6400, $0x38;
	[tilespmem:$0x1B580] =	vst v63  }
0x142: {  	_ =	swait.ge [sflag:s14], $0x6400  }
0x143: {  	[sflag:s14] =	ssyncset.done $0x0  }
0x144: {  	s0 =	rddreg [dreg:$0x1b];
	[sflag:s14] =	ssyncadd.s32 $0xFFFF9C00  }
0x145: {  	[tilespmem:s6], [sflag:$0x3] =	stream.indirect.gather.add.f32 [hbm:s3], $0x40, s0, s8, $0xb8;
	[tilespmem:$0x1B580] =	vst v63  }
0x146: {  	_ =	swait.ge [sflag:s12], $0x6400  }
0x147: {  	[sflag:s12] =	ssyncset.done $0x0  }
0x148: {  	s0 =	rddreg [dreg:$0xb];
	[sflag:s12] =	ssyncadd.s32 $0xFFFF9C00  }
0x149: {  	[hbm4b:s0+s4] =	stream.strided.scatter [tilespmem:s9], [sflag:$0x9], $0x6400, s5, s4, $0x38;
	[tilespmem:$0x1B580] =	vst v63  }
0x14a: {  	_ =	swait.ge [sflag:s2], $0x6400  }
0x14b: {  	[sflag:s2] =	ssyncset.done $0x0  }
0x14c: {  	[sflag:s2] =	ssyncadd.s32 $0xFFFF9C00  }
0x14d: {  	[tilespmem:s10], [sflag:$0x5] =	stream.linear.gather [spmem:s1], $0x6400, $0x38;
	[tilespmem:$0x1B580] =	vst v63  }
0x14e: {  	_ =	swait.ge [sflag:s15], $0x6400  }
0x14f: {  	[sflag:s15] =	ssyncset.done $0x0  }
0x150: {  	s0 =	rddreg [dreg:$0x1c];
	[sflag:s15] =	ssyncadd.s32 $0xFFFF9C00  }
0x151: {  	[tilespmem:s7], [sflag:$0x4] =	stream.indirect.gather.add.f32 [hbm:s3], $0x40, s0, s8, $0xb8;
	[tilespmem:$0x1B580] =	vst v63  }
0x152: {  	_ =	swait.ge [sflag:s13], $0x6400  }
0x153: {  	[sflag:s13] =	ssyncset.done $0x0  }
0x154: {  	s0 =	rddreg [dreg:$0xc];
	[sflag:s13] =	ssyncadd.s32 $0xFFFF9C00  }
0x155: {  	[hbm4b:s0+s4] =	stream.strided.scatter [tilespmem:s6], [sflag:$0x9], $0x6400, s5, s4, $0x38;
	[tilespmem:$0x1B580] =	vst v63  }
0x156: {  	_ =	swait.ge [sflag:s2], $0x6400  }
0x157: {  	[sflag:s2] =	ssyncset.done $0x0  }
0x158: {  	[sflag:s2] =	ssyncadd.s32 $0xFFFF9C00  }
0x159: {  	[tilespmem:s9], [sflag:$0x6] =	stream.linear.gather [spmem:s1], $0x6400, $0x38;
	[tilespmem:$0x1B580] =	vst v63  }
0x15a: {  	_ =	swait.ge [sflag:s18], $0x6400  }
0x15b: {  	[sflag:s18] =	ssyncset.done $0x0  }
0x15c: {  	s0 =	rddreg [dreg:$0x1d];
	[sflag:s18] =	ssyncadd.s32 $0xFFFF9C00  }
0x15d: {  	[tilespmem:s10], [sflag:$0x1] =	stream.indirect.gather.add.f32 [hbm:s3], $0x40, s0, s8, $0xb8;
	[tilespmem:$0x1B580] =	vst v63  }
0x15e: {  	_ =	swait.ge [sflag:s11], $0x6400  }
0x15f: {  	[sflag:s11] =	ssyncset.done $0x0  }
0x160: {  	s0 =	rddreg [dreg:$0xd];
	[sflag:s11] =	ssyncadd.s32 $0xFFFF9C00  }
0x161: {  	[hbm4b:s0+s4] =	stream.strided.scatter [tilespmem:s7], [sflag:$0x9], $0x6400, s5, s4, $0x38;
	[tilespmem:$0x1B580] =	vst v63  }
0x162: {  	_ =	swait.ge [sflag:s2], $0x6400  }
0x163: {  	[sflag:s2] =	ssyncset.done $0x0  }
0x164: {  	[sflag:s2] =	ssyncadd.s32 $0xFFFF9C00  }
0x165: {  	[tilespmem:s6], [sflag:$0x7] =	stream.linear.gather [spmem:s1], $0x6400, $0x38;
	[tilespmem:$0x1B580] =	vst v63  }
0x166: {  	_ =	swait.ge [sflag:s17], $0x6400  }
0x167: {  	[sflag:s17] =	ssyncset.done $0x0  }
0x168: {  	[sflag:s17] =	ssyncadd.s32 $0xFFFF9C00  }
0x169: {  	[tilespmem:s9], [sflag:$0x2] =	stream.indirect.gather.add.f32 [hbm:s3], $0x40, s25, s8, $0xb8;
	[tilespmem:$0x1B580] =	vst v63  }
0x16a: {  	_ =	swait.ge [sflag:s16], $0x6400  }
0x16b: {  	[sflag:s16] =	ssyncset.done $0x0  }
0x16c: {  	s0 =	rddreg [dreg:$0xe];
	[sflag:s16] =	ssyncadd.s32 $0xFFFF9C00  }
0x16d: {  	[hbm4b:s0+s4] =	stream.strided.scatter [tilespmem:s10], [sflag:$0x9], $0x6400, s5, s4, $0x38;
	[tilespmem:$0x1B580] =	vst v63  }
0x16e: {  	_ =	swait.ge [sflag:s2], $0x6400  }
0x16f: {  	[sflag:s2] =	ssyncset.done $0x0  }
0x170: {  	[sflag:s2] =	ssyncadd.s32 $0xFFFF9C00  }
0x171: {  	[tilespmem:s7], [sflag:$0x8] =	stream.linear.gather [spmem:s1], $0x6400, $0x38;
	[tilespmem:$0x1B580] =	vst v63  }
0x172: {  	_ =	swait.ge [sflag:s14], $0x6400  }
0x173: {  	[sflag:s14] =	ssyncset.done $0x0  }
0x174: {  	[sflag:s14] =	ssyncadd.s32 $0xFFFF9C00  }
0x175: {  	[tilespmem:s6], [sflag:$0x3] =	stream.indirect.gather.add.f32 [hbm:s3], $0x40, s24, s8, $0xb8;
	[tilespmem:$0x1B580] =	vst v63  }
0x176: {  	_ =	swait.ge [sflag:s12], $0x6400  }
0x177: {  	[sflag:s12] =	ssyncset.done $0x0  }
0x178: {  	s0 =	rddreg [dreg:$0xf];
	[sflag:s12] =	ssyncadd.s32 $0xFFFF9C00  }
0x179: {  	[hbm4b:s0+s4] =	stream.strided.scatter [tilespmem:s9], [sflag:$0x9], $0x6400, s5, s4, $0x38;
	[tilespmem:$0x1B580] =	vst v63  }
0x17a: {  	_ =	swait.ge [sflag:s2], $0x6400  }
0x17b: {  	[sflag:s2] =	ssyncset.done $0x0  }
0x17c: {  	[sflag:s2] =	ssyncadd.s32 $0xFFFF9C00  }
0x17d: {  	[tilespmem:s10], [sflag:$0x5] =	stream.linear.gather [spmem:s1], $0x6400, $0x38;
	[tilespmem:$0x1B580] =	vst v63  }
0x17e: {  	_ =	swait.ge [sflag:s15], $0x6400  }
0x17f: {  	[sflag:s15] =	ssyncset.done $0x0  }
0x180: {  	[sflag:s15] =	ssyncadd.s32 $0xFFFF9C00  }
0x181: {  	[tilespmem:s7], [sflag:$0x4] =	stream.indirect.gather.add.f32 [hbm:s3], $0x40, s23, s8, $0xb8;
	[tilespmem:$0x1B580] =	vst v63  }
0x182: {  	_ =	swait.ge [sflag:s13], $0x6400  }
0x183: {  	[sflag:s13] =	ssyncset.done $0x0  }
0x184: {  	s0 =	rddreg [dreg:$0x10];
	[sflag:s13] =	ssyncadd.s32 $0xFFFF9C00  }
0x185: {  	[hbm4b:s0+s4] =	stream.strided.scatter [tilespmem:s6], [sflag:$0x9], $0x6400, s5, s4, $0x38;
	[tilespmem:$0x1B580] =	vst v63  }
0x186: {  	_ =	swait.ge [sflag:s2], $0x6400  }
0x187: {  	[sflag:s2] =	ssyncset.done $0x0  }
0x188: {  	[sflag:s2] =	ssyncadd.s32 $0xFFFF9C00  }
0x189: {  	[tilespmem:s9], [sflag:$0x6] =	stream.linear.gather [spmem:s1], $0x6400, $0x38;
	[tilespmem:$0x1B580] =	vst v63  }
0x18a: {  	_ =	swait.ge [sflag:s18], $0x6400  }
0x18b: {  	[sflag:s18] =	ssyncset.done $0x0  }
0x18c: {  	[sflag:s18] =	ssyncadd.s32 $0xFFFF9C00  }
0x18d: {  	[tilespmem:s10], [sflag:$0x1] =	stream.indirect.gather.add.f32 [hbm:s3], $0x40, s22, s8, $0xb8;
	[tilespmem:$0x1B580] =	vst v63  }
0x18e: {  	_ =	swait.ge [sflag:s11], $0x6400  }
0x18f: {  	[sflag:s11] =	ssyncset.done $0x0  }
0x190: {  	s0 =	rddreg [dreg:$0x11];
	[sflag:s11] =	ssyncadd.s32 $0xFFFF9C00  }
0x191: {  	[hbm4b:s0+s4] =	stream.strided.scatter [tilespmem:s7], [sflag:$0x9], $0x6400, s5, s4, $0x38;
	[tilespmem:$0x1B580] =	vst v63  }
0x192: {  	_ =	swait.ge [sflag:s2], $0x6400  }
0x193: {  	[sflag:s2] =	ssyncset.done $0x0  }
0x194: {  	[sflag:s2] =	ssyncadd.s32 $0xFFFF9C00  }
0x195: {  	[tilespmem:s6], [sflag:$0x7] =	stream.linear.gather [spmem:s1], $0x6400, $0x38;
	[tilespmem:$0x1B580] =	vst v63  }
0x196: {  	_ =	swait.ge [sflag:s17], $0x6400  }
0x197: {  	[sflag:s17] =	ssyncset.done $0x0  }
0x198: {  	[sflag:s17] =	ssyncadd.s32 $0xFFFF9C00  }
0x199: {  	[tilespmem:s9], [sflag:$0x2] =	stream.indirect.gather.add.f32 [hbm:s3], $0x40, s21, s8, $0xb8;
	[tilespmem:$0x1B580] =	vst v63  }
0x19a: {  	_ =	swait.ge [sflag:s16], $0x6400  }
0x19b: {  	[sflag:s16] =	ssyncset.done $0x0  }
0x19c: {  	s0 =	rddreg [dreg:$0x12];
	[sflag:s16] =	ssyncadd.s32 $0xFFFF9C00  }
0x19d: {  	[hbm4b:s0+s4] =	stream.strided.scatter [tilespmem:s10], [sflag:$0x9], $0x6400, s5, s4, $0x38;
	[tilespmem:$0x1B580] =	vst v63  }
0x19e: {  	_ =	swait.ge [sflag:s2], $0x6400  }
0x19f: {  	[sflag:s2] =	ssyncset.done $0x0  }
0x1a0: {  	[sflag:s2] =	ssyncadd.s32 $0xFFFF9C00  }
0x1a1: {  	[tilespmem:s7], [sflag:$0x8] =	stream.linear.gather [spmem:s1], $0x6400, $0x38;
	[tilespmem:$0x1B580] =	vst v63  }
0x1a2: {  	_ =	swait.ge [sflag:s14], $0x6400  }
0x1a3: {  	[sflag:s14] =	ssyncset.done $0x0  }
0x1a4: {  	[sflag:s14] =	ssyncadd.s32 $0xFFFF9C00  }
0x1a5: {  	[tilespmem:s6], [sflag:$0x3] =	stream.indirect.gather.add.f32 [hbm:s3], $0x40, s20, s8, $0xb8;
	[tilespmem:$0x1B580] =	vst v63  }
0x1a6: {  	_ =	swait.ge [sflag:s12], $0x6400  }
0x1a7: {  	[sflag:s12] =	ssyncset.done $0x0  }
0x1a8: {  	s0 =	rddreg [dreg:$0x13];
	[sflag:s12] =	ssyncadd.s32 $0xFFFF9C00  }
0x1a9: {  	[hbm4b:s0+s4] =	stream.strided.scatter [tilespmem:s9], [sflag:$0x9], $0x6400, s5, s4, $0x38;
	[tilespmem:$0x1B580] =	vst v63  }
0x1aa: {  	_ =	swait.ge [sflag:s15], $0x6400  }
0x1ab: {  	[sflag:s15] =	ssyncset.done $0x0  }
0x1ac: {  	s19 =	simm.s32 $0x1770;
	[sflag:s15] =	ssyncadd.s32 $0xFFFF9C00  }
0x1ad: {  	[tilespmem:s7], [sflag:$0x4] =	stream.indirect.gather.add.f32 [hbm:s3], $0x40, s19, s8, $0xb8;
	[tilespmem:$0x1B580] =	vst v63  }
0x1ae: {  	_ =	swait.ge [sflag:s13], $0x6400  }
0x1af: {  	[sflag:s13] =	ssyncset.done $0x0  }
0x1b0: {  	s19 =	rddreg [dreg:$0x14];
	[sflag:s13] =	ssyncadd.s32 $0xFFFF9C00  }
0x1b1: {  	[hbm4b:s19+s4] =	stream.strided.scatter [tilespmem:s6], [sflag:$0x9], $0x6400, s5, s4, $0x38;
	[tilespmem:$0x1B580] =	vst v63  }
0x1b2: {  	_ =	swait.ge [sflag:s11], $0x6400  }
0x1b3: {  	[sflag:s11] =	ssyncset.done $0x0  }
0x1b4: {  	s19 =	rddreg [dreg:$0x15];
	[sflag:s11] =	ssyncadd.s32 $0xFFFF9C00  }
0x1b5: {  	[hbm4b:s19+s4] =	stream.strided.scatter [tilespmem:s7], [sflag:$0x9], $0x6400, s5, s4, $0x38;
	[tilespmem:$0x1B580] =	vst v63  }
0x1b6: {  	_ =	swait.ge [sflag:s2], $0x6400  }
0x1b7: {  	[sflag:s2] =	ssyncset.done $0x0  }
0x1b8: {  	[sflag:s2] =	ssyncadd.s32 $0xFFFF9C00  }
0x1b9: {  	_ =	swait.ge [sflag:s2], $0x6400  }
0x1ba: {  	s31 =	sadd.s32 $0xFFFFFFFF, s31;
	[sflag:s2] =	ssyncset.done $0x0  }
0x1bb: {  	p2 =	sne.s32 s31, $0x0;
	[sflag:s2] =	ssyncadd.s32 $0xFFFF9C00  }
.Ltmp2:
0x1bc: {  	_ =	swait.ge [sflag:s2], $0x6400;
	(pc) =	sbr.rel @p2 .LBB2_4-.Ltmp2, $4  }
0x1bd: {  	[sflag:s2] =	ssyncset.done $0x0  }
0x1be: {  	[sflag:s2] =	ssyncadd.s32 $0xFFFF9C00  }
0x1bf: {  	_ =	swait.ge [sflag:s2], $0x6400  }
0x1c0: {  	s0 =	rddreg [dreg:$0x16];
	[sflag:s2] =	ssyncset.done $0x0  }
0x1c1: {  	s31 =	simm.s32 $0x1770;
	s30 =	rddreg [dreg:$0x3]  }
.LBB2_6:
0x1c2: {  	s19 =	rddreg [dreg:$0x4];
	[sflag:s2] =	ssyncadd.s32 @p1 $0xFFFF9C00;
	s29 =	simm.s32 @!p0 $0x1C0A  }
0x1c3: {  	[spmem:s0], [sflag:s29] =	dma.local @!p0 [hbm:s19], $0x1900  }
0x1c4: {  	s0 =	simm.s32 @!p0 $0xA  }
0x1c5: {  	_ =	swait.ge @!p0 [sflag:s0], $0x1900  }
0x1c6: {  	[sflag:s0] =	ssyncset.done @!p0 $0x0  }
0x1c7: {  	[sflag:s0] =	ssyncadd.s32 @!p0 $0xFFFFE700  }
0x1c8: {  	[bflag:$0x0] =	sbarrier.arrive $0xFFFF  }
0x1c9: {  	s29 =	rddreg [dreg:$0x5]  }
0x1ca: {  	[tilespmem:s26], [sflag:$0xA] =	stream.linear.gather [hbm4b:s29+s26], $0x1900, $0x38;
	[tilespmem:$0x1B580] =	vst v63  }
0x1cb: {  	_ =	swait.ge [sflag:s28], $0x1900  }
0x1cc: {  	[sflag:s28] =	ssyncset.done $0x0  }
0x1cd: {  	[sflag:s28] =	ssyncadd.s32 $0xFFFFE700  }
0x1ce: {  	[tilespmem:s10], [sflag:$0x5] =	stream.linear.gather [spmem:s1], $0x6400, $0x38;
	[tilespmem:$0x1B580] =	vst v63  }
0x1cf: {  	_ = 	snop  }
0x1d0: {  	[tilespmem:s9], [sflag:$0x6] =	stream.linear.gather [spmem:s1], $0x6400, $0x38;
	[tilespmem:$0x1B580] =	vst v63  }
0x1d1: {  	_ =	swait.ge [sflag:s18], $0x6400  }
0x1d2: {  	[sflag:s18] =	ssyncset.done $0x0  }
0x1d3: {  	[sflag:s18] =	ssyncadd.s32 $0xFFFF9C00  }
0x1d4: {  	[tilespmem:s10], [sflag:$0x1] =	stream.indirect.gather.add.f32 [hbm:s3], $0x40, s26, s8, $0xb8;
	[tilespmem:$0x1B580] =	vst v63  }
0x1d5: {  	_ = 	snop  }
0x1d6: {  	[tilespmem:s6], [sflag:$0x7] =	stream.linear.gather [spmem:s1], $0x6400, $0x38;
	[tilespmem:$0x1B580] =	vst v63  }
0x1d7: {  	_ =	swait.ge [sflag:s17], $0x6400  }
0x1d8: {  	[sflag:s17] =	ssyncset.done $0x0  }
0x1d9: {  	[sflag:s17] =	ssyncadd.s32 $0xFFFF9C00  }
0x1da: {  	[tilespmem:s9], [sflag:$0x2] =	stream.indirect.gather.add.f32 [hbm:s3], $0x40, s8, s8, $0xb8;
	[tilespmem:$0x1B580] =	vst v63  }
0x1db: {  	_ =	swait.ge [sflag:s16], $0x6400  }
0x1dc: {  	[sflag:s16] =	ssyncset.done $0x0  }
0x1dd: {  	s19 =	rddreg [dreg:$0x6];
	[sflag:s16] =	ssyncadd.s32 $0xFFFF9C00  }
0x1de: {  	[hbm4b:s19+s4] =	stream.strided.scatter [tilespmem:s10], [sflag:$0x9], $0x6400, s5, s4, $0x38;
	[tilespmem:$0x1B580] =	vst v63  }
0x1df: {  	_ = 	snop  }
0x1e0: {  	[tilespmem:s7], [sflag:$0x8] =	stream.linear.gather [spmem:s1], $0x6400, $0x38;
	[tilespmem:$0x1B580] =	vst v63  }
0x1e1: {  	_ =	swait.ge [sflag:s14], $0x6400  }
0x1e2: {  	[sflag:s14] =	ssyncset.done $0x0  }
0x1e3: {  	s26 =	rddreg [dreg:$0x17];
	[sflag:s14] =	ssyncadd.s32 $0xFFFF9C00  }
0x1e4: {  	[tilespmem:s6], [sflag:$0x3] =	stream.indirect.gather.add.f32 [hbm:s3], $0x40, s26, s8, $0xb8;
	[tilespmem:$0x1B580] =	vst v63  }
0x1e5: {  	_ =	swait.ge [sflag:s12], $0x6400  }
0x1e6: {  	[sflag:s12] =	ssyncset.done $0x0  }
0x1e7: {  	s28 =	rddreg [dreg:$0x7];
	[sflag:s12] =	ssyncadd.s32 $0xFFFF9C00  }
0x1e8: {  	[hbm4b:s28+s4] =	stream.strided.scatter [tilespmem:s9], [sflag:$0x9], $0x6400, s5, s4, $0x38;
	[tilespmem:$0x1B580] =	vst v63  }
0x1e9: {  	_ =	swait.ge [sflag:s2], $0x6400  }
0x1ea: {  	[sflag:s2] =	ssyncset.done $0x0  }
0x1eb: {  	[sflag:s2] =	ssyncadd.s32 $0xFFFF9C00  }
0x1ec: {  	[tilespmem:s10], [sflag:$0x5] =	stream.linear.gather [spmem:s1], $0x6400, $0x38;
	[tilespmem:$0x1B580] =	vst v63  }
0x1ed: {  	_ =	swait.ge [sflag:s15], $0x6400  }
0x1ee: {  	[sflag:s15] =	ssyncset.done $0x0  }
0x1ef: {  	s29 =	rddreg [dreg:$0x18];
	[sflag:s15] =	ssyncadd.s32 $0xFFFF9C00  }
0x1f0: {  	[tilespmem:s7], [sflag:$0x4] =	stream.indirect.gather.add.f32 [hbm:s3], $0x40, s29, s8, $0xb8;
	[tilespmem:$0x1B580] =	vst v63  }
0x1f1: {  	_ =	swait.ge [sflag:s13], $0x6400  }
0x1f2: {  	[sflag:s13] =	ssyncset.done $0x0  }
0x1f3: {  	s19 =	rddreg [dreg:$0x8];
	[sflag:s13] =	ssyncadd.s32 $0xFFFF9C00  }
0x1f4: {  	[hbm4b:s19+s4] =	stream.strided.scatter [tilespmem:s6], [sflag:$0x9], $0x6400, s5, s4, $0x38;
	[tilespmem:$0x1B580] =	vst v63  }
0x1f5: {  	_ =	swait.ge [sflag:s2], $0x6400  }
0x1f6: {  	[sflag:s2] =	ssyncset.done $0x0  }
0x1f7: {  	[sflag:s2] =	ssyncadd.s32 $0xFFFF9C00  }
0x1f8: {  	[tilespmem:s9], [sflag:$0x6] =	stream.linear.gather [spmem:s1], $0x6400, $0x38;
	[tilespmem:$0x1B580] =	vst v63  }
0x1f9: {  	_ =	swait.ge [sflag:s18], $0x6400  }
0x1fa: {  	[sflag:s18] =	ssyncset.done $0x0  }
0x1fb: {  	s26 =	rddreg [dreg:$0x19];
	[sflag:s18] =	ssyncadd.s32 $0xFFFF9C00  }
0x1fc: {  	[tilespmem:s10], [sflag:$0x1] =	stream.indirect.gather.add.f32 [hbm:s3], $0x40, s26, s8, $0xb8;
	[tilespmem:$0x1B580] =	vst v63  }
0x1fd: {  	_ =	swait.ge [sflag:s11], $0x6400  }
0x1fe: {  	[sflag:s11] =	ssyncset.done $0x0  }
0x1ff: {  	s28 =	rddreg [dreg:$0x9];
	[sflag:s11] =	ssyncadd.s32 $0xFFFF9C00  }
0x200: {  	[hbm4b:s28+s4] =	stream.strided.scatter [tilespmem:s7], [sflag:$0x9], $0x6400, s5, s4, $0x38;
	[tilespmem:$0x1B580] =	vst v63  }
0x201: {  	_ =	swait.ge [sflag:s2], $0x6400  }
0x202: {  	[sflag:s2] =	ssyncset.done $0x0  }
0x203: {  	[sflag:s2] =	ssyncadd.s32 $0xFFFF9C00  }
0x204: {  	[tilespmem:s6], [sflag:$0x7] =	stream.linear.gather [spmem:s1], $0x6400, $0x38;
	[tilespmem:$0x1B580] =	vst v63  }
0x205: {  	_ =	swait.ge [sflag:s17], $0x6400  }
0x206: {  	[sflag:s17] =	ssyncset.done $0x0  }
0x207: {  	s29 =	rddreg [dreg:$0x1a];
	[sflag:s17] =	ssyncadd.s32 $0xFFFF9C00  }
0x208: {  	[tilespmem:s9], [sflag:$0x2] =	stream.indirect.gather.add.f32 [hbm:s3], $0x40, s29, s8, $0xb8;
	[tilespmem:$0x1B580] =	vst v63  }
0x209: {  	_ =	swait.ge [sflag:s16], $0x6400  }
0x20a: {  	[sflag:s16] =	ssyncset.done $0x0  }
0x20b: {  	s19 =	rddreg [dreg:$0xa];
	[sflag:s16] =	ssyncadd.s32 $0xFFFF9C00  }
0x20c: {  	[hbm4b:s19+s4] =	stream.strided.scatter [tilespmem:s10], [sflag:$0x9], $0x6400, s5, s4, $0x38;
	[tilespmem:$0x1B580] =	vst v63  }
0x20d: {  	_ =	swait.ge [sflag:s2], $0x6400  }
0x20e: {  	[sflag:s2] =	ssyncset.done $0x0  }
0x20f: {  	[sflag:s2] =	ssyncadd.s32 $0xFFFF9C00  }
0x210: {  	[tilespmem:s7], [sflag:$0x8] =	stream.linear.gather [spmem:s1], $0x6400, $0x38;
	[tilespmem:$0x1B580] =	vst v63  }
0x211: {  	_ =	swait.ge [sflag:s14], $0x6400  }
0x212: {  	[sflag:s14] =	ssyncset.done $0x0  }
0x213: {  	s26 =	rddreg [dreg:$0x1b];
	[sflag:s14] =	ssyncadd.s32 $0xFFFF9C00  }
0x214: {  	[tilespmem:s6], [sflag:$0x3] =	stream.indirect.gather.add.f32 [hbm:s3], $0x40, s26, s8, $0xb8;
	[tilespmem:$0x1B580] =	vst v63  }
0x215: {  	_ =	swait.ge [sflag:s12], $0x6400  }
0x216: {  	[sflag:s12] =	ssyncset.done $0x0  }
0x217: {  	s28 =	rddreg [dreg:$0xb];
	[sflag:s12] =	ssyncadd.s32 $0xFFFF9C00  }
0x218: {  	[hbm4b:s28+s4] =	stream.strided.scatter [tilespmem:s9], [sflag:$0x9], $0x6400, s5, s4, $0x38;
	[tilespmem:$0x1B580] =	vst v63  }
0x219: {  	_ =	swait.ge [sflag:s2], $0x6400  }
0x21a: {  	[sflag:s2] =	ssyncset.done $0x0  }
0x21b: {  	[sflag:s2] =	ssyncadd.s32 $0xFFFF9C00  }
0x21c: {  	[tilespmem:s10], [sflag:$0x5] =	stream.linear.gather [spmem:s1], $0x6400, $0x38;
	[tilespmem:$0x1B580] =	vst v63  }
0x21d: {  	_ =	swait.ge [sflag:s15], $0x6400  }
0x21e: {  	[sflag:s15] =	ssyncset.done $0x0  }
0x21f: {  	s29 =	rddreg [dreg:$0x1c];
	[sflag:s15] =	ssyncadd.s32 $0xFFFF9C00  }
0x220: {  	[tilespmem:s7], [sflag:$0x4] =	stream.indirect.gather.add.f32 [hbm:s3], $0x40, s29, s8, $0xb8;
	[tilespmem:$0x1B580] =	vst v63  }
0x221: {  	_ =	swait.ge [sflag:s13], $0x6400  }
0x222: {  	[sflag:s13] =	ssyncset.done $0x0  }
0x223: {  	s19 =	rddreg [dreg:$0xc];
	[sflag:s13] =	ssyncadd.s32 $0xFFFF9C00  }
0x224: {  	[hbm4b:s19+s4] =	stream.strided.scatter [tilespmem:s6], [sflag:$0x9], $0x6400, s5, s4, $0x38;
	[tilespmem:$0x1B580] =	vst v63  }
0x225: {  	_ =	swait.ge [sflag:s2], $0x6400  }
0x226: {  	[sflag:s2] =	ssyncset.done $0x0  }
0x227: {  	[sflag:s2] =	ssyncadd.s32 $0xFFFF9C00  }
0x228: {  	[tilespmem:s9], [sflag:$0x6] =	stream.linear.gather [spmem:s1], $0x6400, $0x38;
	[tilespmem:$0x1B580] =	vst v63  }
0x229: {  	_ =	swait.ge [sflag:s18], $0x6400  }
0x22a: {  	[sflag:s18] =	ssyncset.done $0x0  }
0x22b: {  	s26 =	rddreg [dreg:$0x1d];
	[sflag:s18] =	ssyncadd.s32 $0xFFFF9C00  }
0x22c: {  	[tilespmem:s10], [sflag:$0x1] =	stream.indirect.gather.add.f32 [hbm:s3], $0x40, s26, s8, $0xb8;
	[tilespmem:$0x1B580] =	vst v63  }
0x22d: {  	_ =	swait.ge [sflag:s11], $0x6400  }
0x22e: {  	[sflag:s11] =	ssyncset.done $0x0  }
0x22f: {  	s28 =	rddreg [dreg:$0xd];
	[sflag:s11] =	ssyncadd.s32 $0xFFFF9C00  }
0x230: {  	[hbm4b:s28+s4] =	stream.strided.scatter [tilespmem:s7], [sflag:$0x9], $0x6400, s5, s4, $0x38;
	[tilespmem:$0x1B580] =	vst v63  }
0x231: {  	_ =	swait.ge [sflag:s2], $0x6400  }
0x232: {  	[sflag:s2] =	ssyncset.done $0x0  }
0x233: {  	[sflag:s2] =	ssyncadd.s32 $0xFFFF9C00  }
0x234: {  	[tilespmem:s6], [sflag:$0x7] =	stream.linear.gather [spmem:s1], $0x6400, $0x38;
	[tilespmem:$0x1B580] =	vst v63  }
0x235: {  	_ =	swait.ge [sflag:s17], $0x6400  }
0x236: {  	[sflag:s17] =	ssyncset.done $0x0  }
0x237: {  	[sflag:s17] =	ssyncadd.s32 $0xFFFF9C00  }
0x238: {  	[tilespmem:s9], [sflag:$0x2] =	stream.indirect.gather.add.f32 [hbm:s3], $0x40, s25, s8, $0xb8;
	[tilespmem:$0x1B580] =	vst v63  }
0x239: {  	_ =	swait.ge [sflag:s16], $0x6400  }
0x23a: {  	[sflag:s16] =	ssyncset.done $0x0  }
0x23b: {  	s29 =	rddreg [dreg:$0xe];
	[sflag:s16] =	ssyncadd.s32 $0xFFFF9C00  }
0x23c: {  	[hbm4b:s29+s4] =	stream.strided.scatter [tilespmem:s10], [sflag:$0x9], $0x6400, s5, s4, $0x38;
	[tilespmem:$0x1B580] =	vst v63  }
0x23d: {  	_ =	swait.ge [sflag:s2], $0x6400  }
0x23e: {  	[sflag:s2] =	ssyncset.done $0x0  }
0x23f: {  	[sflag:s2] =	ssyncadd.s32 $0xFFFF9C00  }
0x240: {  	[tilespmem:s7], [sflag:$0x8] =	stream.linear.gather [spmem:s1], $0x6400, $0x38;
	[tilespmem:$0x1B580] =	vst v63  }
0x241: {  	_ =	swait.ge [sflag:s14], $0x6400  }
0x242: {  	[sflag:s14] =	ssyncset.done $0x0  }
0x243: {  	[sflag:s14] =	ssyncadd.s32 $0xFFFF9C00  }
0x244: {  	[tilespmem:s6], [sflag:$0x3] =	stream.indirect.gather.add.f32 [hbm:s3], $0x40, s24, s8, $0xb8;
	[tilespmem:$0x1B580] =	vst v63  }
0x245: {  	_ =	swait.ge [sflag:s12], $0x6400  }
0x246: {  	[sflag:s12] =	ssyncset.done $0x0  }
0x247: {  	s19 =	rddreg [dreg:$0xf];
	[sflag:s12] =	ssyncadd.s32 $0xFFFF9C00  }
0x248: {  	[hbm4b:s19+s4] =	stream.strided.scatter [tilespmem:s9], [sflag:$0x9], $0x6400, s5, s4, $0x38;
	[tilespmem:$0x1B580] =	vst v63  }
0x249: {  	_ =	swait.ge [sflag:s2], $0x6400  }
0x24a: {  	[sflag:s2] =	ssyncset.done $0x0  }
0x24b: {  	[sflag:s2] =	ssyncadd.s32 $0xFFFF9C00  }
0x24c: {  	[tilespmem:s10], [sflag:$0x5] =	stream.linear.gather [spmem:s1], $0x6400, $0x38;
	[tilespmem:$0x1B580] =	vst v63  }
0x24d: {  	_ =	swait.ge [sflag:s15], $0x6400  }
0x24e: {  	[sflag:s15] =	ssyncset.done $0x0  }
0x24f: {  	[sflag:s15] =	ssyncadd.s32 $0xFFFF9C00  }
0x250: {  	[tilespmem:s7], [sflag:$0x4] =	stream.indirect.gather.add.f32 [hbm:s3], $0x40, s23, s8, $0xb8;
	[tilespmem:$0x1B580] =	vst v63  }
0x251: {  	_ =	swait.ge [sflag:s13], $0x6400  }
0x252: {  	[sflag:s13] =	ssyncset.done $0x0  }
0x253: {  	s24 =	rddreg [dreg:$0x10];
	[sflag:s13] =	ssyncadd.s32 $0xFFFF9C00  }
0x254: {  	[hbm4b:s24+s4] =	stream.strided.scatter [tilespmem:s6], [sflag:$0x9], $0x6400, s5, s4, $0x38;
	[tilespmem:$0x1B580] =	vst v63  }
0x255: {  	_ =	swait.ge [sflag:s2], $0x6400  }
0x256: {  	[sflag:s2] =	ssyncset.done $0x0  }
0x257: {  	[sflag:s2] =	ssyncadd.s32 $0xFFFF9C00  }
0x258: {  	[tilespmem:s9], [sflag:$0x6] =	stream.linear.gather [spmem:s1], $0x6400, $0x38;
	[tilespmem:$0x1B580] =	vst v63  }
0x259: {  	_ =	swait.ge [sflag:s18], $0x6400  }
0x25a: {  	[sflag:s18] =	ssyncset.done $0x0  }
0x25b: {  	[sflag:s18] =	ssyncadd.s32 $0xFFFF9C00  }
0x25c: {  	[tilespmem:s10], [sflag:$0x1] =	stream.indirect.gather.add.f32 [hbm:s3], $0x40, s22, s8, $0xb8;
	[tilespmem:$0x1B580] =	vst v63  }
0x25d: {  	_ =	swait.ge [sflag:s11], $0x6400  }
0x25e: {  	[sflag:s11] =	ssyncset.done $0x0  }
0x25f: {  	s25 =	rddreg [dreg:$0x11];
	[sflag:s11] =	ssyncadd.s32 $0xFFFF9C00  }
0x260: {  	[hbm4b:s25+s4] =	stream.strided.scatter [tilespmem:s7], [sflag:$0x9], $0x6400, s5, s4, $0x38;
	[tilespmem:$0x1B580] =	vst v63  }
0x261: {  	_ =	swait.ge [sflag:s2], $0x6400  }
0x262: {  	[sflag:s2] =	ssyncset.done $0x0  }
0x263: {  	[sflag:s2] =	ssyncadd.s32 $0xFFFF9C00  }
0x264: {  	[tilespmem:s6], [sflag:$0x7] =	stream.linear.gather [spmem:s1], $0x6400, $0x38;
	[tilespmem:$0x1B580] =	vst v63  }
0x265: {  	_ =	swait.ge [sflag:s17], $0x6400  }
0x266: {  	[sflag:s17] =	ssyncset.done $0x0  }
0x267: {  	[sflag:s17] =	ssyncadd.s32 $0xFFFF9C00  }
0x268: {  	[tilespmem:s9], [sflag:$0x2] =	stream.indirect.gather.add.f32 [hbm:s3], $0x40, s21, s8, $0xb8;
	[tilespmem:$0x1B580] =	vst v63  }
0x269: {  	_ =	swait.ge [sflag:s16], $0x6400  }
0x26a: {  	[sflag:s16] =	ssyncset.done $0x0  }
0x26b: {  	s26 =	rddreg [dreg:$0x12];
	[sflag:s16] =	ssyncadd.s32 $0xFFFF9C00  }
0x26c: {  	[hbm4b:s26+s4] =	stream.strided.scatter [tilespmem:s10], [sflag:$0x9], $0x6400, s5, s4, $0x38;
	[tilespmem:$0x1B580] =	vst v63  }
0x26d: {  	_ =	swait.ge [sflag:s2], $0x6400  }
0x26e: {  	[sflag:s2] =	ssyncset.done $0x0  }
0x26f: {  	[sflag:s2] =	ssyncadd.s32 $0xFFFF9C00  }
0x270: {  	[tilespmem:s7], [sflag:$0x8] =	stream.linear.gather [spmem:s1], $0x6400, $0x38;
	[tilespmem:$0x1B580] =	vst v63  }
0x271: {  	_ =	swait.ge [sflag:s14], $0x6400  }
0x272: {  	[sflag:s14] =	ssyncset.done $0x0  }
0x273: {  	[sflag:s14] =	ssyncadd.s32 $0xFFFF9C00  }
0x274: {  	[tilespmem:s6], [sflag:$0x3] =	stream.indirect.gather.add.f32 [hbm:s3], $0x40, s20, s8, $0xb8;
	[tilespmem:$0x1B580] =	vst v63  }
0x275: {  	_ =	swait.ge [sflag:s12], $0x6400  }
0x276: {  	[sflag:s12] =	ssyncset.done $0x0  }
0x277: {  	s28 =	rddreg [dreg:$0x13];
	[sflag:s12] =	ssyncadd.s32 $0xFFFF9C00  }
0x278: {  	[hbm4b:s28+s4] =	stream.strided.scatter [tilespmem:s9], [sflag:$0x9], $0x6400, s5, s4, $0x38;
	[tilespmem:$0x1B580] =	vst v63  }
0x279: {  	_ =	swait.ge [sflag:s15], $0x6400  }
0x27a: {  	[sflag:s15] =	ssyncset.done $0x0  }
0x27b: {  	[sflag:s15] =	ssyncadd.s32 $0xFFFF9C00  }
0x27c: {  	[tilespmem:s7], [sflag:$0x4] =	stream.indirect.gather.add.f32 [hbm:s3], $0x40, s31, s8, $0xb8;
	[tilespmem:$0x1B580] =	vst v63  }
0x27d: {  	_ =	swait.ge [sflag:s13], $0x6400  }
0x27e: {  	[sflag:s13] =	ssyncset.done $0x0  }
0x27f: {  	s29 =	rddreg [dreg:$0x14];
	[sflag:s13] =	ssyncadd.s32 $0xFFFF9C00  }
0x280: {  	[hbm4b:s29+s4] =	stream.strided.scatter [tilespmem:s6], [sflag:$0x9], $0x6400, s5, s4, $0x38;
	[tilespmem:$0x1B580] =	vst v63  }
0x281: {  	_ =	swait.ge [sflag:s11], $0x6400  }
0x282: {  	[sflag:s11] =	ssyncset.done $0x0  }
0x283: {  	s31 =	rddreg [dreg:$0x15];
	[sflag:s11] =	ssyncadd.s32 $0xFFFF9C00  }
0x284: {  	[hbm4b:s31+s4] =	stream.strided.scatter [tilespmem:s7], [sflag:$0x9], $0x6400, s5, s4, $0x38;
	[tilespmem:$0x1B580] =	vst v63  }
0x285: {  	_ =	swait.ge [sflag:s2], $0x6400  }
0x286: {  	[sflag:s2] =	ssyncset.done $0x0  }
0x287: {  	[sflag:s2] =	ssyncadd.s32 $0xFFFF9C00  }
0x288: {  	_ =	swait.ge [sflag:s2], $0x6400  }
0x289: {  	[sflag:s2] =	ssyncset.done $0x0  }
0x28a: {  	[sflag:s2] =	ssyncadd.s32 $0xFFFF9C00  }
0x28b: {  	_ =	swait.ge [sflag:s2], $0x6400  }
0x28c: {  	[sflag:s2] =	ssyncset.done $0x0  }
0x28d: {  	[sflag:s2] =	ssyncadd.s32 $0xFFFF9C00  }
0x28e: {  	_ =	swait.ge [sflag:s2], $0x6400  }
0x28f: {  	[sflag:s2] =	ssyncset.done $0x0  }
0x290: {  	[sflag:s2] =	ssyncadd.s32 $0xFFFF9C00  }
0x291: {  	_ =	sfence.sel $0x180000  }
0x292: {  	[bflag:$0x0] =	sbarrier.arrive $0xFFFF  }
0x293: {  	_ =	strace $0x90000047  }
0x294: {  	s0 =	sadd.s32 @!p0 $0x100000, s30;
	[bflag:$0x2] =	sbarrier.arrive $0xFFFF  }
0x295: {  	[sflag:s0] =	ssyncadd.tile.s32 @!p0 $0x1;
	_ =	shalt  }
.LBB2_1:
.Ltmp3:
0x296: {  	(pc) =	sbr.rel .LBB2_6-.Ltmp3, $2  }
0x297: {  	_ =	sdelay $0x2  }
0x298: {  	s31 =	simm.s32 $0x1770  }
.LBB2_3:
.Ltmp4:
0x299: {  	(pc) =	sbr.rel .LBB2_6-.Ltmp4, $2  }
0x29a: {  	_ =	sdelay $0x2  }
0x29b: {  	s31 =	simm.s32 $0x1770;
	s30 =	rddreg [dreg:$0x3]  }
.Lfunc_end2:
_tile_overlayer_lowered:
.L_overlay_start_2:
0x29c: {  	(tag) =	ssettag $0x2  }
0x29d: {  	s0 =	rddreg [dreg:$0x0];
	s2 =	stileid.u32  }
0x29e: {  	s1 =	rddreg [dreg:$0x1];
	p0 =	sne.s32 s2, $0x0  }
0x29f: {  	s3 =	rddreg [dreg:$0x2];
	[bflag:$0x3] =	sbarrier.arrive $0xFFFF;
	s2 =	simm.s32 @!p0 $0x1C0A  }
0x2a0: {  	[timem:s3], [sflag:s2] =	dma.local @!p0 [hbm:s0], s1  }
0x2a1: {  	s0 =	simm.s32 @!p0 $0xA  }
0x2a2: {  	_ =	swait.ge @!p0 [sflag:s0], s1  }
0x2a3: {  	s1 =	ssub.s32 @!p0 $0x0, s1;
	[sflag:s0] =	ssyncset.done @!p0 $0x0  }
0x2a4: {  	[sflag:s0] =	ssyncadd.s32 @!p0 s1  }
0x2a5: {  	[bflag:$0x3] =	sbarrier.arrive $0xFFFF  }
0x2a6: {  	_ =	shalt  }

// kernel: sparse-core-data-format-call.cloned.1.call-start
scs
called_computation_lowered:
.L_overlay_start_0:
0x0: {  	s2 =	sld [smem:$0x3FD9]  }
0x1: {  	s3 =	sld [smem:$0x3FFE];
	_ =	sdelay $0x1  }
0x2: {  	s1 =	srdreg.scid  }
0x3: {  	s0 =	sand.u32 $0x1, s1  }
0x4: {  	s18 =	sshll.u32 s0, $0xA;
	s2 =	sadd.s32 s3, s2  }
0x5: {  	s2 =	sadd.s32 s2, s18  }
0x6: {  	[smem:$0x3FC6] =	sst s2  }
0x7: {  	_ = 	snop  }
0x8: {  	s2 =	sld [smem:$0x3FD0];
	(tm) =	ssettm $0x1  }
0x9: {  	s19 =	sld [smem:$0x3FFB];
	_ =	sdelay $0x3  }
0xa: {  	_ =	strace s19  }
0xb: {  	s3 =	sld [smem:$0x3FFC];
	_ =	sdelay $0x3  }
0xc: {  	_ =	strace s3  }
0xd: {  	s3 =	sld [smem:$0x3FFD];
	_ =	sdelay $0x3  }
0xe: {  	_ =	strace s3  }
0xf: {  	_ =	strace $0x8FFFFFFF  }
0x10: {  	s20 =	sld [smem:$0x3FDB];
	_ =	sdelay $0x1  }
0x11: {  	s4 =	simm.s32 $_scs_section_size  }
0x12: {  	s5 =	simm.s32 $_size__tile_overlayer_lowered;
	s6 =	simm.s32 $_tile_overlayer_lowered  }
0x13: {  	s23 =	simm.s32 $0x1BFF;
	s22 =	sshll.u32 s6, $0x1;
	s3 =	sadd.s32 s4, s20  }
0x14: {  	s7 =	simm.s32 $0x0;
	s21 =	sshll.u32 s5, $0x1;
	s5 =	sadd.s32 s22, s3  }
0x15: {  	[timem:s7], [sflag:s23] =	dma.local [hbm:s5], s21  }
0x16: {  	_ =	swait.ge [sflag:s23], s21  }
0x17: {  	s4 =	ssub.s32 $0x0, s21;
	[sflag:s23] =	ssyncset.done $0x0  }
0x18: {  	[sflag:s23] =	ssyncadd.s32 s4;
	_ =	sdelay $0x1  }
0x19: {  	s24 =	simm.s32 $0x1B8B  }
0x1a: {  	_ =	swait.ge [sflag:s24], $0x1  }
0x1b: {  	[sflag:s24] =	ssyncset.done $0x0  }
0x1c: {  	s26 =	simm.s32 $0x1B8E;
	s25 =	sld [smem:$0x3FFE];
	[sflag:s24] =	ssyncadd.s32 $0xFFFFFFFF  }
0x1d: {  	s27 =	simm.s32 $execute0_lowered;
	[smem:$0x3FD2] =	sst s26  }
0x1e: {  	s5 =	sshll.u32 s27, $0x1;
	_ =	strace $0x80000049;
	[dreg:$0x1] =	wrdreg $0xFFFFFFFF  }
0x1f: {  	s28 =	simm.s32 $_size_execute0_lowered;
	s3 =	sadd.s32 s3, s5;
	[dreg:$0x0] =	wrdreg $0x0  }
0x20: {  	s5 =	sshll.u32 s28, $0x1;
	[dreg:$0x2] =	wrdreg s3  }
0x21: {  	[dreg:$0x3] =	wrdreg s5  }
0x22: {  	[dreg:$0x4] =	wrdreg $0xC0  }
0x23: {  	_ =	task [dreg:s7], $0x5FFFF  }
0x24: {  	[dreg:$0x1] =	wrdreg $0xFFFFFFFF  }
0x25: {  	[dreg:$0x0] =	wrdreg $0x60  }
0x26: {  	[dreg:$0x2] =	wrdreg s25  }
0x27: {  	[dreg:$0x3] =	wrdreg s2  }
0x28: {  	[dreg:$0x4] =	wrdreg $0x9  }
0x29: {  	_ =	task.clear_ibuf [dreg:s7], $0x5FFFF;
	_ =	strace $0x90000049  }
0x2a: {  	s29 =	simm.s32 $0x9;
	_ =	strace $0x8000004B  }
0x2b: {  	_ =	swait.ge [sflag:s29], $0x1  }
0x2c: {  	[sflag:s29] =	ssyncadd.s32 $0xFFFFFFFF  }
0x2d: {  	_ =	strace $0x9000004B  }
0x2e: {  	_ =	sfence  }
0x2f: {  	s30 =	sld [smem:$0x0];
	_ =	sdelay $0x2  }
0x30: {  	s31 =	sshll.u32 s1, $0xD;
	s1 =	sshrl.u32 s1, $0x2  }
0x31: {  	s3 =	sand.u32 $0x4000, s31;
	s1 =	sadd.s32 s1, s30  }
0x32: {  	s0 =	sor.u32 s3, s0;
	s1 =	sshll.u32 s1, $0x11  }
0x33: {  	s0 =	sor.u32 s1, s0  }
0x34: {  	s0 =	sadd.s32 $0x8F2B, s0  }
0x35: {  	[sflag:s0] =	ssyncadd.remote.s32 $0x1  }
0x36: {  	_ =	sfence.sel $0xFFFF  }
0x37: {  	[dreg:$0x0] =	wrdreg $0xFFFFFFFF;
	(pc) =	sbr.abs _section_cstart, $3  }
0x38: {  	[dreg:$0x1] =	wrdreg $0xFFFFFFFF  }
0x39: {  	_ =	task.clear_ibuf [dreg:s7], $0x2FFFF;
	_ =	strace $0x9FFFFFFF  }
0x3a: {  	(tm) =	ssettm $0x7FFFFFFF  }
0x3b: {  	_ =	shalt  }
tec
execute0_lowered:
.L_overlay_start_1:
0x0: {  	(tag) =	ssettag $0x1  }
0x1: {  	s0 =	stileid.u32;
	s6 =	rddreg [dreg:$0x0]  }
0x2: {  	s2 =	rddreg [dreg:$0x1];
	s5 =	srdreg.scid  }
0x3: {  	s31 =	simm.s32 $0x2;
	s13 =	simm.s32 $0x0;
	s1 =	sshll.u32 s0, $0x7  }
0x4: {  	s14 =	simm.s32 $0x0;
	s12 =	simm.s32 $0x0;
	s3 =	sand.u32 $0x380, s1  }
0x5: {  	s5 =	sshll.u32 s5, $0x4;
	s6 =	sadd.s32 $0x2600, s6;
	s4 =	ssub.s32 $0x400, s3  }
0x6: {  	s1 =	rddreg [dreg:$0x2];
	_ =	strace $0x8000004A;
	s7 =	sand.u32 $0x380, s4  }
0x7: {  	s5 =	sand.u32 $0x10, s5;
	p0 =	sne.s32 s7, $0x0;
	s7 =	simm.s32 $0x1  }
.Ltmp0:
0x8: {  	s8 =	sshrl.u32 s4, $0xA;
	s7 =	simm.s32 @!p0 $0x0;
	(pc) =	sbr.rel .LBB1_1-.Ltmp0, $4  }
0x9: {  	s9 =	sor.u32 s0, s5;
	s4 =	simm.s32 $0x1;
	s30 =	sadd.s32 s7, s8  }
0xa: {  	s11 =	smov.u32 s3;
	[sflag:s4] =	ssyncpa.u1 $0x0;
	s5 =	smul.u32 $0x32, s30  }
0xb: {  	[sflag:s31] =	ssyncpa.u1 $0x0;
	p0 =	por $0x0, $0x0;
	s7 =	sshrl.u32 s9, $0x3  }
0xc: {  	s9 =	simm.s32 $0x2000;
	s10 =	smov.u32 s7;
	s8 =	sor.u32 $0x1, s5  }
.LBB1_4:
0xd: {  	s17 =	sand.u32 $0x1F80, s14;
	s13 =	sshll.u32 s13, $0xD  }
0xe: {  	[tilespmem:s16+$0x810 ss:$0x81] =	vst.msk $0xffff, v2;
	s18 =	sshrl.u32 s14, $0x3;
	s31 =	sand.u32 $0x7, s14;
	s17 =	sadd.s32 s2, s17  }
0xf: {  	[tilespmem:s16+$0x1020 ss:$0x81] =	vst.msk $0xffff, v0;
	s18 =	sand.u32 $0xF, s18;
	s14 =	sshll.u32 s31, $0x12;
	s13 =	sadd.s32 s13, s17  }
0x10: {  	[tilespmem:s16+$0x0 ss:$0x81] =	vst.msk $0xffff, v1;
	s14 =	sor.u32 $0x400, s14;
	s13 =	sadd.s32 s18, s13  }
0x11: {  	[hbm4b:s13+s14] =	stream.strided.scatter [tilespmem:s15], [sflag:$0x2], $0x2000, s9, s14, $0x20;
	[tilespmem:$0x8080] =	vst v63  }
.LBB1_5:
0x12: {  	s15 =	sadd.s32 $0x4, s10  }
0x13: {  	s13 =	sadd.s32 $0x400, s11;
	s17 =	smov.u32 s11;
	p2 =	sgt.s32 s15, $0xC7  }
0x14: {  	s17 =	smov.u32 @p2 s13  }
0x15: {  	s15 =	smov.u32 @p2 s7;
	p2 =	sgt.s32 s17, $0x3FF  }
0x16: {  	s17 =	smov.u32 @p2 s3;
	p2 =	sne.s32 s12, s8  }
.Ltmp1:
0x17: {  	p1 =	slt.u32 s12, $0x2;
	(pc) =	sbr.rel @!p2 .LBB1_6-.Ltmp1, $4  }
0x18: {  	s16 =	simm.s32 @!p1 $0x2  }
0x19: {  	s14 =	smov.u32 s11;
	p0 =	por !p0, !p0;
	_ =	swait.ge @!p1 [sflag:s16], $0x2000  }
0x1a: {  	s13 =	smov.u32 s10;
	[sflag:s16] =	ssyncset.done @!p1 $0x0;
	s10 =	smov.u32 s15  }
0x1b: {  	s12 =	sadd.s32 $0x1, s12;
	[sflag:s16] =	ssyncadd.s32 @!p1 $0xFFFFE000;
	s11 =	smov.u32 s17  }
.LBB1_1:
0x1c: {  	p1 =	sge.u32 s12, s5  }
0x1d: {  	s15 =	sand.u32 @!p1 $0x1FFFFFF, s10  }
0x1e: {  	s16 =	smulhi.u32 @!p1 $0x147AE15, s15;
	_ =	sdelay $0x1  }
0x1f: {  	s16 =	smul.u32 @!p1 $0xC8, s16  }
0x20: {  	s17 =	sxor.u32 @!p1 $0xFFFFFFFF, s12;
	s18 =	smul.u32 @!p1 $0xC80, s11  }
0x21: {  	s31 =	sadd.s32 $0xFFFFFFFF, s12;
	s17 =	sshll.u32 @!p1 s17, $0xD;
	s15 =	ssub.s32 @!p1 s15, s16  }
0x22: {  	s16 =	sand.u32 @!p1 $0x2000, s17;
	s17 =	sadd.s32 @!p1 s6, s18;
	s15 =	sshll.u32 @!p1 s15, $0x4  }
0x23: {  	s18 =	simm.s32 @!p1 $0x6400;
	s15 =	sadd.s32 @!p1 s15, s17;
	s17 =	simm.s32 @!p1 $0x40  }
0x24: {  	[tilespmem:s16], [sflag:$0x1] =	stream.strided.gather @!p1 [hbm4b:s15+s17], $0x2000, s18, s17, $0x38;
	[tilespmem:$0x8080] =	vst v63  }
0x25: {  	p1 =	sge.u32 s31, s5  }
.Ltmp2:
0x26: {  	_ = 	snop;
	(pc) =	sbr.rel @p1 .LBB1_5-.Ltmp2, $1  }
0x27: {  	_ =	sdelay $0x3  }
0x28: {  	s15 =	simm.s32 $0x1  }
0x29: {  	_ =	swait.ge [sflag:s4], $0x2000;
	s15 =	simm.s32 @!p0 $0x0  }
0x2a: {  	[sflag:s4] =	ssyncset.done $0x0;
	s16 =	sshll.u32 s15, $0xD  }
0x2b: {  	[sflag:s4] =	ssyncadd.s32 $0xFFFFE000;
	s19 =	sor.u32 $0x20, s16  }
0x2c: {  	s15 =	smul.u32 $0x8100, s15;
	v3 =	vld [tilespmem:s19+$0x10]  }
0x2d: {  	s30 =	sand.u32 $0x1, s12;
	v2 =	vld [tilespmem:s19+$0xFFFFFFF0]  }
0x2e: {  	s16 =	smul.u32 $0x8100, s30;
	s15 =	sshrl.u32 s15, $0x2;
	v0 =	vld [tilespmem:s19+$0x0]  }
0x2f: {  	v1 =	vld [tilespmem:s19+$0xFFFFFFE0];
	s17 =	sor.u32 $0x4000, s15  }
0x30: {  	s31 =	sshrl.u32 s16, $0x2;
	s16 =	sadd.s32 $0x0, s17  }
0x31: {  	s18 =	simm.s32 $0x4;
	s19 =	sadd.s32 $0x40, s19;
	s15 =	sor.u32 $0x4000, s31;
	[tilespmem:s16+$0x1830 ss:$0x81] =	vst.msk $0xffff, v3  }
.LBB1_3:
0x32: {  	v3 =	vld [tilespmem:s19+$0x10];
	p1 =	sne.s32 s18, $0x1FC;
	[tilespmem:s16+$0x810 ss:$0x81] =	vst.msk $0xffff, v2;
	s20 =	smov.u32 s18;
	s18 =	sadd.s32 $0x4, s18  }
.Ltmp3:
0x33: {  	v2 =	vld [tilespmem:s19+$0xFFFFFFF0];
	[tilespmem:s16+$0x1020 ss:$0x81] =	vst.msk $0xffff, v0;
	(pc) =	sbr.rel @p1 .LBB1_3-.Ltmp3, $4  }
0x34: {  	v0 =	vld [tilespmem:s19+$0x0];
	[tilespmem:s16+$0x0 ss:$0x81] =	vst.msk $0xffff, v1  }
0x35: {  	s16 =	sshra.s32 s20, $0x2;
	v1 =	vld [tilespmem:s19+$0xFFFFFFE0]  }
0x36: {  	s16 =	sadd.s32 s16, s17  }
0x37: {  	s19 =	sadd.s32 $0x40, s19;
	[tilespmem:s16+$0x1830 ss:$0x81] =	vst.msk $0xffff, v3  }
.Ltmp4:
0x38: {  	_ = 	snop;
	(pc) =	sbr.rel .LBB1_4-.Ltmp4, $1  }
0x39: {  	_ =	sdelay $0x3  }
.LBB1_6:
0x3a: {  	_ =	sfence.sel $0x180000  }
0x3b: {  	s2 =	simm.s32 $0x1;
	[bflag:$0x0] =	sbarrier.arrive $0xFFFF  }
0x3c: {  	s31 =	simm.s32 $0x2;
	[sflag:s2] =	ssyncpa.u1 $0x1  }
0x3d: {  	[sflag:s31] =	ssyncpa.u1 $0x1  }
0x3e: {  	p0 =	sne.s32 s0, $0x0;
	_ =	strace $0x9000004A  }
0x3f: {  	s0 =	sadd.s32 @!p0 $0x100000, s1;
	[bflag:$0x2] =	sbarrier.arrive $0xFFFF  }
0x40: {  	[sflag:s0] =	ssyncadd.tile.s32 @!p0 $0x1;
	_ =	shalt  }
.Lfunc_end1:
_tile_overlayer_lowered:
.L_overlay_start_2:
0x41: {  	(tag) =	ssettag $0x2  }
0x42: {  	s0 =	rddreg [dreg:$0x0];
	s2 =	stileid.u32  }
0x43: {  	s1 =	rddreg [dreg:$0x1];
	p0 =	sne.s32 s2, $0x0  }
0x44: {  	s3 =	rddreg [dreg:$0x2];
	[bflag:$0x3] =	sbarrier.arrive $0xFFFF;
	s2 =	simm.s32 @!p0 $0x1C01  }
0x45: {  	[timem:s3], [sflag:s2] =	dma.local @!p0 [hbm:s0], s1  }
0x46: {  	s0 =	simm.s32 @!p0 $0x1  }
0x47: {  	_ =	swait.ge @!p0 [sflag:s0], s1  }
0x48: {  	s1 =	ssub.s32 @!p0 $0x0, s1;
	[sflag:s0] =	ssyncset.done @!p0 $0x0  }
0x49: {  	[sflag:s0] =	ssyncadd.s32 @!p0 s1  }
0x4a: {  	[bflag:$0x3] =	sbarrier.arrive $0xFFFF  }
0x4b: {  	_ =	shalt  }

</sc_bundles>
